<compile_context>
chip_gen: v7x
topology: tpu7x:2x2x1
jax: 0.10.2.dev20260603
libtpu: 0.0.44.dev20260713+nightly
codegen_flags: <defaults>
</compile_context>

<pallas_src>
import functools

import jax
import jax.numpy as jnp
from jax import lax
from jax.experimental import pallas as pl
from jax.experimental.pallas import tpu as pltpu
from jax.experimental.pallas import tpu_sc as plsc

N = 10000
D_IN = 128
D_HID = 16
E = 320000

NC, NS, L = 2, 16, 16
NW = NC * NS
CH = 128
NCH = 80
EPT = CH * NCH
E_PAD = EPT * NW
EROW = E_PAD // 128
NBUF = 4

N_PAD = 10048
NPR = N_PAD * D_HID // 128

_mesh = plsc.VectorSubcoreMesh(core_axis_name="c", subcore_axis_name="s")
_sc_params = pltpu.CompilerParams(use_tc_tiling_on_sc=False)


@functools.partial(
    pl.kernel,
    out_type=jax.ShapeDtypeStruct((NC, N_PAD, D_HID), jnp.float32),
    mesh=_mesh,
    compiler_params=_sc_params,
    scratch_types=[
        pltpu.VMEM((NCH, CH), jnp.int32),
        pltpu.VMEM((CH, D_HID), jnp.float32),
        pltpu.VMEM_SHARED((N_PAD, D_HID), jnp.float32),
        pltpu.SemaphoreType.DMA,
    ],
)
def _sc_deg(epk_hbm, zero_hbm, ones_hbm, out_hbm, idx_v, ones_v, acc_sh, sem):
    cid = lax.axis_index("c")
    sid = lax.axis_index("s")
    wid = sid * NC + cid
    pltpu.sync_copy(epk_hbm.at[1, wid], idx_v)
    pltpu.sync_copy(ones_hbm, ones_v)

    @pl.when(sid == 0)
    def _():
        pltpu.sync_copy(zero_hbm, acc_sh)

    plsc.subcore_barrier()

    def fire(c, carry):
        pltpu.async_copy(ones_v, acc_sh.at[idx_v.at[c]], sem, add=True)
        return carry

    lax.fori_loop(0, NCH, fire, 0)

    def drain(c, carry):
        pltpu.make_async_copy(ones_v, acc_sh.at[idx_v.at[0]], sem).wait()
        return carry

    lax.fori_loop(0, NCH, drain, 0)
    plsc.subcore_barrier()

    @pl.when(sid == 0)
    def _():
        pltpu.sync_copy(acc_sh, out_hbm.at[cid])


@functools.partial(
    pl.kernel,
    out_type=jax.ShapeDtypeStruct((NC, N_PAD, D_HID), jnp.float32),
    mesh=_mesh,
    compiler_params=_sc_params,
    scratch_types=[
        pltpu.VMEM((NCH, CH), jnp.int32),
        pltpu.VMEM((NCH, CH), jnp.int32),
        [pltpu.VMEM((CH, D_HID), jnp.float32)] * NBUF,
        pltpu.VMEM_SHARED((N_PAD, D_HID), jnp.float32),
        pltpu.VMEM_SHARED((N_PAD, D_HID), jnp.float32),
        [pltpu.SemaphoreType.DMA] * NBUF,
        [pltpu.SemaphoreType.DMA] * NBUF,
    ],
)
def _sc_scatter(hs_hbm, epk_hbm, zero_hbm, out_hbm,
                isrc_v, idst_v, rows, hs_sh, acc_sh, sg, ss):
    cid = lax.axis_index("c")
    sid = lax.axis_index("s")
    wid = sid * NC + cid
    pltpu.sync_copy(epk_hbm.at[0, wid], isrc_v)
    pltpu.sync_copy(epk_hbm.at[1, wid], idst_v)

    @pl.when(sid == 0)
    def _():
        pltpu.sync_copy(zero_hbm, acc_sh)

    @pl.when(sid == 1)
    def _():
        pltpu.sync_copy(hs_hbm, hs_sh)

    plsc.subcore_barrier()

    def gather(c, slot):
        pltpu.async_copy(hs_sh.at[isrc_v.at[c]], rows[slot], sg[slot])

    def gather_wait(slot):
        pltpu.make_async_copy(hs_sh.at[isrc_v.at[0]], rows[slot],
                              sg[slot]).wait()

    def scat(c, slot):
        pltpu.async_copy(rows[slot], acc_sh.at[idst_v.at[c]], ss[slot],
                         add=True)

    def scat_wait(slot):
        pltpu.make_async_copy(rows[slot], acc_sh.at[idst_v.at[0]],
                              ss[slot]).wait()

    gather(0, 0)
    for c in range(NBUF - 1):
        gather(c + 1, c + 1)
        gather_wait(c)
        scat(c, c)

    for c in range(NBUF - 1, (NBUF - 1) * NBUF):
        b = c % NBUF
        nb = (c + 1) % NBUF
        scat_wait(nb)
        gather(c + 1, nb)
        gather_wait(b)
        scat(c, b)

    def outer(g, carry):
        for b in range(NBUF):
            c = g * NBUF + b
            nb = (b + 1) % NBUF
            scat_wait(nb)

            @pl.when(c + 1 < NCH)
            def _():
                gather(c + 1, nb)

            gather_wait(b)
            scat(c, b)
        return carry

    lax.fori_loop(NBUF - 1, NCH // NBUF, outer, 0)

    for k in range(NBUF - 1):
        scat_wait((NCH - NBUF + 1 + k) % NBUF)
    plsc.subcore_barrier()

    @pl.when(sid == 0)
    def _():
        pltpu.sync_copy(acc_sh, out_hbm.at[cid])


def _tc_repack_body(e_ref, o_ref):
    e = e_ref[...]
    j = lax.broadcasted_iota(jnp.int32, (1, E_PAD - E), 1)
    pad = jnp.concatenate([
        jnp.zeros((1, E_PAD - E), jnp.int32),
        N + j % (N_PAD - N)], axis=0)
    o_ref[...] = jnp.concatenate([e, pad], axis=1).reshape(2, EROW, 128)


def _tc_prescale_body(xw_ref, wb_ref, deg_ref, hs_ref, dinv_ref):
    h = jnp.dot(xw_ref[...], wb_ref[...], preferred_element_type=jnp.float32)
    dinv = lax.rsqrt(deg_ref[0] + deg_ref[1] + 1.0)
    dinv_ref[...] = dinv
    hs_ref[...] = h * dinv


def _tc_final_body(p_ref, hs_ref, dinv_ref, b_ref, o_ref):
    s = p_ref[0] + p_ref[1] + hs_ref[...]
    o_ref[...] = jnp.maximum(s * dinv_ref[...] + b_ref[...], 0.0)


def kernel(x, edge_index, W, b):
    epk2 = pl.pallas_call(
        _tc_repack_body,
        out_shape=jax.ShapeDtypeStruct((2, EROW, 128), jnp.int32),
    )(edge_index)
    epk = epk2.reshape(2, NW, NCH, CH)
    zeros = jnp.zeros((N_PAD, D_HID), jnp.float32)
    ones = jnp.ones((CH, D_HID), jnp.float32)
    xw = jnp.concatenate(
        [x, jnp.zeros((N_PAD - N, D_IN), x.dtype)]).reshape(NPR, 8 * D_IN)
    wb = jnp.kron(jnp.eye(8, dtype=W.dtype), W)
    b128 = jnp.tile(b, 8).reshape(1, 128)

    deg_part = _sc_deg(epk, zeros, ones)
    deg2 = deg_part.reshape(NC, NPR, 128)

    hs2, dinv2 = pl.pallas_call(
        _tc_prescale_body,
        out_shape=[jax.ShapeDtypeStruct((NPR, 128), jnp.float32),
                   jax.ShapeDtypeStruct((NPR, 128), jnp.float32)],
    )(xw, wb, deg2)

    part = _sc_scatter(hs2.reshape(N_PAD, D_HID), epk, zeros)
    part2 = part.reshape(NC, NPR, 128)

    o2 = pl.pallas_call(
        _tc_final_body,
        out_shape=jax.ShapeDtypeStruct((NPR, 128), jnp.float32),
    )(part2, hs2, dinv2, b128)
    return o2.reshape(N_PAD, D_HID)[:N]

# --- scband reference (transcript-rebuilt; emitter-appended) ---
"""Pipeline reference for scband-gcnencoder-29274497089997 (READ-ONLY COPY).

The authoritative reference and input builder live on the scoring server;
editing this copy changes nothing except your own understanding.
"""

import jax, jax.numpy as jnp
import numpy as np

N_NODES = 10000
D_IN = 128
D_HID = 16
N_EDGES = 320000

def setup_inputs(seed: int = 0) -> dict:
    key = jax.random.key(seed)
    k1, k2, k3 = jax.random.split(key, 3)
    x = jax.random.normal(k1, (N_NODES, D_IN), dtype=jnp.float32)
    edge_index = jax.random.randint(k2, (2, N_EDGES), 0, N_NODES, dtype=jnp.int32)
    # GCNConv parameters (embedding_size=128 -> hidden_sizes[0]=16)
    W = jax.random.normal(k3, (D_IN, D_HID), dtype=jnp.float32) * (1.0 / np.sqrt(D_IN))
    b = jnp.zeros((D_HID,), dtype=jnp.float32)
    return {"x": x, "edge_index": edge_index, "W": W, "b": b}

def _gcn_conv(x, edge_index, W, b):
    N = x.shape[0]
    # add self loops (PyG GCNConv default)
    loop = jnp.arange(N, dtype=edge_index.dtype)
    src = jnp.concatenate([edge_index[0], loop])
    dst = jnp.concatenate([edge_index[1], loop])
    # symmetric normalization deg^{-1/2} A_hat deg^{-1/2}
    deg = jnp.zeros((N,), dtype=x.dtype).at[dst].add(1.0)
    dinv = jnp.where(deg > 0, jax.lax.rsqrt(deg), 0.0)
    norm = dinv[src] * dinv[dst]
    h = x @ W
    msg = h[src] * norm[:, None]
    out = jnp.zeros((N, W.shape[1]), dtype=x.dtype).at[dst].add(msg)
    return out + b

def reference(x, edge_index, W, b):
    out = _gcn_conv(x, edge_index, W, b)
    # final intermediate_fns block applies ReLU (Dropout is identity in eval)
    return jax.nn.relu(out)

if __name__ == "__main__":
    import jax
    _d = setup_inputs()
    print(jax.jit(kernel)(*tuple(_d.values())))

</pallas_src>

<mosaic_0001>
#map = affine_map<(d0, d1) -> (0, 0)>
#map1 = affine_map<(d0, d1) -> (0, 0, 0, 0)>
#map2 = affine_map<(d0, d1) -> (0, 0, 0)>
module attributes {stable_mosaic.version = 14 : i64} {
  func.func @_sc_scatter(%arg0: i32, %arg1: i32, %arg2: memref<10048x16xf32, #tpu.memory_space<hbm>>, %arg3: memref<2x32x80x128xi32, #tpu.memory_space<hbm>>, %arg4: memref<10048x16xf32, #tpu.memory_space<hbm>>, %arg5: memref<2x10048x16xf32, #tpu.memory_space<hbm>>, %arg6: memref<80x128xi32, #tpu.memory_space<vmem>>, %arg7: memref<80x128xi32, #tpu.memory_space<vmem>>, %arg8: memref<128x16xf32, #tpu.memory_space<vmem>>, %arg9: memref<128x16xf32, #tpu.memory_space<vmem>>, %arg10: memref<128x16xf32, #tpu.memory_space<vmem>>, %arg11: memref<128x16xf32, #tpu.memory_space<vmem>>, %arg12: memref<10048x16xf32, #tpu.memory_space<vmem_shared>>, %arg13: memref<10048x16xf32, #tpu.memory_space<vmem_shared>>, %arg14: memref<!tpu.dma_semaphore, #tpu.memory_space<semaphore_mem>>, %arg15: memref<!tpu.dma_semaphore, #tpu.memory_space<semaphore_mem>>, %arg16: memref<!tpu.dma_semaphore, #tpu.memory_space<semaphore_mem>>, %arg17: memref<!tpu.dma_semaphore, #tpu.memory_space<semaphore_mem>>, %arg18: memref<!tpu.dma_semaphore, #tpu.memory_space<semaphore_mem>>, %arg19: memref<!tpu.dma_semaphore, #tpu.memory_space<semaphore_mem>>, %arg20: memref<!tpu.dma_semaphore, #tpu.memory_space<semaphore_mem>>, %arg21: memref<!tpu.dma_semaphore, #tpu.memory_space<semaphore_mem>>) attributes {dimension_semantics = [#tpu.dimension_semantics<core_parallel>, #tpu.dimension_semantics<subcore_parallel>], iteration_bounds = array<i64: 2, 16>, scalar_prefetch = 0 : i64, scratch_operands = 16 : i64, tpu.core_type = #tpu.core_type<sc_vector_subcore>, window_params = [{transform_indices = #map}, {transform_indices = #map1}, {transform_indices = #map}, {transform_indices = #map2}]} {
    %mul3A = arith.constant 2 : i32
    %mul3A_0 = arith.muli %arg1, %mul3A : i32
    %add3A = arith.addi %mul3A_0, %arg0 : i32
    %run_scoped3A = arith.constant 0 : i32
    "tpu.region"() ({
      %run_scoped3A_361 = tpu.sem_alloc : memref<!tpu.dma_semaphore, #tpu.memory_space<semaphore_mem>>
      %dma_start3A_362 = arith.constant 0 : i32
      %dma_start3A_363 = arith.constant 0 : i32
      %dma_start3A_364 = tpu.memref_slice %arg3[%run_scoped3A, %add3A, %dma_start3A_362, %dma_start3A_363] : memref<2x32x80x128xi32, #tpu.memory_space<hbm>> -> memref<1x1x80x128xi32, #tpu.memory_space<hbm>>
      %dma_start3A_365 = tpu.memref_squeeze %dma_start3A_364 : memref<1x1x80x128xi32, #tpu.memory_space<hbm>> -> memref<80x128xi32, #tpu.memory_space<hbm>>
      %dma_start3A_366 = arith.constant 0 : i32
      %dma_start3A_367 = arith.constant 0 : i32
      %dma_start3A_368 = tpu.memref_slice %arg3[%run_scoped3A, %add3A, %dma_start3A_366, %dma_start3A_367] : memref<2x32x80x128xi32, #tpu.memory_space<hbm>> -> memref<1x1x80x128xi32, #tpu.memory_space<hbm>>
      %dma_start3A_369 = tpu.memref_squeeze %dma_start3A_368 : memref<1x1x80x128xi32, #tpu.memory_space<hbm>> -> memref<80x128xi32, #tpu.memory_space<hbm>>
      tpu.enqueue_dma source(%dma_start3A_369 : memref<80x128xi32, #tpu.memory_space<hbm>>) target(%arg6 : memref<80x128xi32, #tpu.memory_space<vmem>>) target_semaphore(%run_scoped3A_361 : memref<!tpu.dma_semaphore, #tpu.memory_space<semaphore_mem>>)
      %dma_wait3A_370 = arith.constant 0 : i32
      %dma_wait3A_371 = arith.constant 0 : i32
      %dma_wait3A_372 = tpu.memref_slice %arg3[%run_scoped3A, %add3A, %dma_wait3A_370, %dma_wait3A_371] : memref<2x32x80x128xi32, #tpu.memory_space<hbm>> -> memref<1x1x80x128xi32, #tpu.memory_space<hbm>>
      %dma_wait3A_373 = tpu.memref_squeeze %dma_wait3A_372 : memref<1x1x80x128xi32, #tpu.memory_space<hbm>> -> memref<80x128xi32, #tpu.memory_space<hbm>>
      %dma_wait3A_374 = arith.constant 0 : i32
      %dma_wait3A_375 = arith.constant 0 : i32
      %dma_wait3A_376 = tpu.memref_slice %arg3[%run_scoped3A, %add3A, %dma_wait3A_374, %dma_wait3A_375] : memref<2x32x80x128xi32, #tpu.memory_space<hbm>> -> memref<1x1x80x128xi32, #tpu.memory_space<hbm>>
      %dma_wait3A_377 = tpu.memref_squeeze %dma_wait3A_376 : memref<1x1x80x128xi32, #tpu.memory_space<hbm>> -> memref<80x128xi32, #tpu.memory_space<hbm>>
      tpu.wait_dma2 semaphore(%run_scoped3A_361 : memref<!tpu.dma_semaphore, #tpu.memory_space<semaphore_mem>>) src(%dma_wait3A_377 : memref<80x128xi32, #tpu.memory_space<hbm>>) dst(%arg6 : memref<80x128xi32, #tpu.memory_space<vmem>>)
      tpu.yield
    }) : () -> ()
    %run_scoped3A_1 = arith.constant 1 : i32
    "tpu.region"() ({
      %run_scoped3A_361 = tpu.sem_alloc : memref<!tpu.dma_semaphore, #tpu.memory_space<semaphore_mem>>
      %dma_start3A_362 = arith.constant 0 : i32
      %dma_start3A_363 = arith.constant 0 : i32
      %dma_start3A_364 = tpu.memref_slice %arg3[%run_scoped3A_1, %add3A, %dma_start3A_362, %dma_start3A_363] : memref<2x32x80x128xi32, #tpu.memory_space<hbm>> -> memref<1x1x80x128xi32, #tpu.memory_space<hbm>>
      %dma_start3A_365 = tpu.memref_squeeze %dma_start3A_364 : memref<1x1x80x128xi32, #tpu.memory_space<hbm>> -> memref<80x128xi32, #tpu.memory_space<hbm>>
      %dma_start3A_366 = arith.constant 0 : i32
      %dma_start3A_367 = arith.constant 0 : i32
      %dma_start3A_368 = tpu.memref_slice %arg3[%run_scoped3A_1, %add3A, %dma_start3A_366, %dma_start3A_367] : memref<2x32x80x128xi32, #tpu.memory_space<hbm>> -> memref<1x1x80x128xi32, #tpu.memory_space<hbm>>
      %dma_start3A_369 = tpu.memref_squeeze %dma_start3A_368 : memref<1x1x80x128xi32, #tpu.memory_space<hbm>> -> memref<80x128xi32, #tpu.memory_space<hbm>>
      tpu.enqueue_dma source(%dma_start3A_369 : memref<80x128xi32, #tpu.memory_space<hbm>>) target(%arg7 : memref<80x128xi32, #tpu.memory_space<vmem>>) target_semaphore(%run_scoped3A_361 : memref<!tpu.dma_semaphore, #tpu.memory_space<semaphore_mem>>)
      %dma_wait3A_370 = arith.constant 0 : i32
      %dma_wait3A_371 = arith.constant 0 : i32
      %dma_wait3A_372 = tpu.memref_slice %arg3[%run_scoped3A_1, %add3A, %dma_wait3A_370, %dma_wait3A_371] : memref<2x32x80x128xi32, #tpu.memory_space<hbm>> -> memref<1x1x80x128xi32, #tpu.memory_space<hbm>>
      %dma_wait3A_373 = tpu.memref_squeeze %dma_wait3A_372 : memref<1x1x80x128xi32, #tpu.memory_space<hbm>> -> memref<80x128xi32, #tpu.memory_space<hbm>>
      %dma_wait3A_374 = arith.constant 0 : i32
      %dma_wait3A_375 = arith.constant 0 : i32
      %dma_wait3A_376 = tpu.memref_slice %arg3[%run_scoped3A_1, %add3A, %dma_wait3A_374, %dma_wait3A_375] : memref<2x32x80x128xi32, #tpu.memory_space<hbm>> -> memref<1x1x80x128xi32, #tpu.memory_space<hbm>>
      %dma_wait3A_377 = tpu.memref_squeeze %dma_wait3A_376 : memref<1x1x80x128xi32, #tpu.memory_space<hbm>> -> memref<80x128xi32, #tpu.memory_space<hbm>>
      tpu.wait_dma2 semaphore(%run_scoped3A_361 : memref<!tpu.dma_semaphore, #tpu.memory_space<semaphore_mem>>) src(%dma_wait3A_377 : memref<80x128xi32, #tpu.memory_space<hbm>>) dst(%arg7 : memref<80x128xi32, #tpu.memory_space<vmem>>)
      tpu.yield
    }) : () -> ()
    %eq3A = arith.constant 0 : i32
    %eq3A_2 = arith.cmpi eq, %arg1, %eq3A : i32
    %convert_element_type3A = arith.extui %eq3A_2 : i1 to i32
    %cond3A = arith.constant 0 : i32
    %cond3A_3 = arith.cmpi ne, %convert_element_type3A, %cond3A : i32
    scf.if %cond3A_3 {
      "tpu.region"() ({
        %run_scoped3A_361 = tpu.sem_alloc : memref<!tpu.dma_semaphore, #tpu.memory_space<semaphore_mem>>
        tpu.enqueue_dma source(%arg4 : memref<10048x16xf32, #tpu.memory_space<hbm>>) target(%arg13 : memref<10048x16xf32, #tpu.memory_space<vmem_shared>>) target_semaphore(%run_scoped3A_361 : memref<!tpu.dma_semaphore, #tpu.memory_space<semaphore_mem>>)
        tpu.wait_dma2 semaphore(%run_scoped3A_361 : memref<!tpu.dma_semaphore, #tpu.memory_space<semaphore_mem>>) src(%arg4 : memref<10048x16xf32, #tpu.memory_space<hbm>>) dst(%arg13 : memref<10048x16xf32, #tpu.memory_space<vmem_shared>>)
        tpu.yield
      }) : () -> ()
    } else {
    }
    %eq3A_4 = arith.constant 1 : i32
    %eq3A_5 = arith.cmpi eq, %arg1, %eq3A_4 : i32
    %convert_element_type3A_6 = arith.extui %eq3A_5 : i1 to i32
    %cond3A_7 = arith.constant 0 : i32
    %cond3A_8 = arith.cmpi ne, %convert_element_type3A_6, %cond3A_7 : i32
    scf.if %cond3A_8 {
      "tpu.region"() ({
        %run_scoped3A_361 = tpu.sem_alloc : memref<!tpu.dma_semaphore, #tpu.memory_space<semaphore_mem>>
        tpu.enqueue_dma source(%arg2 : memref<10048x16xf32, #tpu.memory_space<hbm>>) target(%arg12 : memref<10048x16xf32, #tpu.memory_space<vmem_shared>>) target_semaphore(%run_scoped3A_361 : memref<!tpu.dma_semaphore, #tpu.memory_space<semaphore_mem>>)
        tpu.wait_dma2 semaphore(%run_scoped3A_361 : memref<!tpu.dma_semaphore, #tpu.memory_space<semaphore_mem>>) src(%arg2 : memref<10048x16xf32, #tpu.memory_space<hbm>>) dst(%arg12 : memref<10048x16xf32, #tpu.memory_space<vmem_shared>>)
        tpu.yield
      }) : () -> ()
    } else {
    }
    %barrier3A = arith.constant 0 : index
    tpu.barrier barrier_id(%barrier3A)
    %dma_start3A = arith.constant 0 : i32
    %dma_start3A_9 = arith.constant 0 : i32
    %dma_start3A_10 = tpu.memref_slice %arg6[%dma_start3A, %dma_start3A_9] : memref<80x128xi32, #tpu.memory_space<vmem>> -> memref<1x128xi32, #tpu.memory_space<vmem>>
    %dma_start3A_11 = tpu.memref_squeeze %dma_start3A_10 : memref<1x128xi32, #tpu.memory_space<vmem>> -> memref<128xi32, #tpu.memory_space<vmem>>
    %dma_start3A_12 = arith.constant 0 : i32
    %dma_start3A_13 = arith.constant 0 : i32
    %dma_start3A_14 = tpu.memref_slice %arg12[%dma_start3A_12, %dma_start3A_13] : memref<10048x16xf32, #tpu.memory_space<vmem_shared>> -> memref<10048x16xf32, #tpu.memory_space<vmem_shared>>
    tpu.enqueue_indirect_dma source(%dma_start3A_14 : memref<10048x16xf32, #tpu.memory_space<vmem_shared>>) target(%arg8 : memref<128x16xf32, #tpu.memory_space<vmem>>) offsets(%dma_start3A_11 : memref<128xi32, #tpu.memory_space<vmem>>) semaphore(%arg14 : memref<!tpu.dma_semaphore, #tpu.memory_space<semaphore_mem>>)
    %dma_start3A_15 = arith.constant 1 : i32
    %dma_start3A_16 = arith.constant 0 : i32
    %dma_start3A_17 = tpu.memref_slice %arg6[%dma_start3A_15, %dma_start3A_16] : memref<80x128xi32, #tpu.memory_space<vmem>> -> memref<1x128xi32, #tpu.memory_space<vmem>>
    %dma_start3A_18 = tpu.memref_squeeze %dma_start3A_17 : memref<1x128xi32, #tpu.memory_space<vmem>> -> memref<128xi32, #tpu.memory_space<vmem>>
    %dma_start3A_19 = arith.constant 0 : i32
    %dma_start3A_20 = arith.constant 0 : i32
    %dma_start3A_21 = tpu.memref_slice %arg12[%dma_start3A_19, %dma_start3A_20] : memref<10048x16xf32, #tpu.memory_space<vmem_shared>> -> memref<10048x16xf32, #tpu.memory_space<vmem_shared>>
    tpu.enqueue_indirect_dma source(%dma_start3A_21 : memref<10048x16xf32, #tpu.memory_space<vmem_shared>>) target(%arg9 : memref<128x16xf32, #tpu.memory_space<vmem>>) offsets(%dma_start3A_18 : memref<128xi32, #tpu.memory_space<vmem>>) semaphore(%arg15 : memref<!tpu.dma_semaphore, #tpu.memory_space<semaphore_mem>>)
    %dma_wait3A = arith.constant 0 : i32
    %dma_wait3A_22 = arith.constant 0 : i32
    %dma_wait3A_23 = tpu.memref_slice %arg6[%dma_wait3A, %dma_wait3A_22] : memref<80x128xi32, #tpu.memory_space<vmem>> -> memref<1x128xi32, #tpu.memory_space<vmem>>
    %dma_wait3A_24 = tpu.memref_squeeze %dma_wait3A_23 : memref<1x128xi32, #tpu.memory_space<vmem>> -> memref<128xi32, #tpu.memory_space<vmem>>
    %dma_wait3A_25 = arith.constant 0 : i32
    %dma_wait3A_26 = arith.constant 0 : i32
    %dma_wait3A_27 = tpu.memref_slice %arg12[%dma_wait3A_25, %dma_wait3A_26] : memref<10048x16xf32, #tpu.memory_space<vmem_shared>> -> memref<10048x16xf32, #tpu.memory_space<vmem_shared>>
    tpu.wait_indirect_dma semaphore(%arg14 : memref<!tpu.dma_semaphore, #tpu.memory_space<semaphore_mem>>) src(%dma_wait3A_27 : memref<10048x16xf32, #tpu.memory_space<vmem_shared>>) dst(%arg8 : memref<128x16xf32, #tpu.memory_space<vmem>>)
    %dma_start3A_28 = arith.constant 0 : i32
    %dma_start3A_29 = arith.constant 0 : i32
    %dma_start3A_30 = tpu.memref_slice %arg7[%dma_start3A_28, %dma_start3A_29] : memref<80x128xi32, #tpu.memory_space<vmem>> -> memref<1x128xi32, #tpu.memory_space<vmem>>
    %dma_start3A_31 = tpu.memref_squeeze %dma_start3A_30 : memref<1x128xi32, #tpu.memory_space<vmem>> -> memref<128xi32, #tpu.memory_space<vmem>>
    %dma_start3A_32 = arith.constant 0 : i32
    %dma_start3A_33 = arith.constant 0 : i32
    %dma_start3A_34 = tpu.memref_slice %arg13[%dma_start3A_32, %dma_start3A_33] : memref<10048x16xf32, #tpu.memory_space<vmem_shared>> -> memref<10048x16xf32, #tpu.memory_space<vmem_shared>>
    tpu.enqueue_indirect_dma source(%arg8 : memref<128x16xf32, #tpu.memory_space<vmem>>) target(%dma_start3A_34 : memref<10048x16xf32, #tpu.memory_space<vmem_shared>>) offsets(%dma_start3A_31 : memref<128xi32, #tpu.memory_space<vmem>>) semaphore(%arg18 : memref<!tpu.dma_semaphore, #tpu.memory_space<semaphore_mem>>) {add = true}
    %dma_start3A_35 = arith.constant 2 : i32
    %dma_start3A_36 = arith.constant 0 : i32
    %dma_start3A_37 = tpu.memref_slice %arg6[%dma_start3A_35, %dma_start3A_36] : memref<80x128xi32, #tpu.memory_space<vmem>> -> memref<1x128xi32, #tpu.memory_space<vmem>>
    %dma_start3A_38 = tpu.memref_squeeze %dma_start3A_37 : memref<1x128xi32, #tpu.memory_space<vmem>> -> memref<128xi32, #tpu.memory_space<vmem>>
    %dma_start3A_39 = arith.constant 0 : i32
    %dma_start3A_40 = arith.constant 0 : i32
    %dma_start3A_41 = tpu.memref_slice %arg12[%dma_start3A_39, %dma_start3A_40] : memref<10048x16xf32, #tpu.memory_space<vmem_shared>> -> memref<10048x16xf32, #tpu.memory_space<vmem_shared>>
    tpu.enqueue_indirect_dma source(%dma_start3A_41 : memref<10048x16xf32, #tpu.memory_space<vmem_shared>>) target(%arg10 : memref<128x16xf32, #tpu.memory_space<vmem>>) offsets(%dma_start3A_38 : memref<128xi32, #tpu.memory_space<vmem>>) semaphore(%arg16 : memref<!tpu.dma_semaphore, #tpu.memory_space<semaphore_mem>>)
    %dma_wait3A_42 = arith.constant 0 : i32
    %dma_wait3A_43 = arith.constant 0 : i32
    %dma_wait3A_44 = tpu.memref_slice %arg6[%dma_wait3A_42, %dma_wait3A_43] : memref<80x128xi32, #tpu.memory_space<vmem>> -> memref<1x128xi32, #tpu.memory_space<vmem>>
    %dma_wait3A_45 = tpu.memref_squeeze %dma_wait3A_44 : memref<1x128xi32, #tpu.memory_space<vmem>> -> memref<128xi32, #tpu.memory_space<vmem>>
    %dma_wait3A_46 = arith.constant 0 : i32
    %dma_wait3A_47 = arith.constant 0 : i32
    %dma_wait3A_48 = tpu.memref_slice %arg12[%dma_wait3A_46, %dma_wait3A_47] : memref<10048x16xf32, #tpu.memory_space<vmem_shared>> -> memref<10048x16xf32, #tpu.memory_space<vmem_shared>>
    tpu.wait_indirect_dma semaphore(%arg15 : memref<!tpu.dma_semaphore, #tpu.memory_space<semaphore_mem>>) src(%dma_wait3A_48 : memref<10048x16xf32, #tpu.memory_space<vmem_shared>>) dst(%arg9 : memref<128x16xf32, #tpu.memory_space<vmem>>)
    %dma_start3A_49 = arith.constant 1 : i32
    %dma_start3A_50 = arith.constant 0 : i32
    %dma_start3A_51 = tpu.memref_slice %arg7[%dma_start3A_49, %dma_start3A_50] : memref<80x128xi32, #tpu.memory_space<vmem>> -> memref<1x128xi32, #tpu.memory_space<vmem>>
    %dma_start3A_52 = tpu.memref_squeeze %dma_start3A_51 : memref<1x128xi32, #tpu.memory_space<vmem>> -> memref<128xi32, #tpu.memory_space<vmem>>
    %dma_start3A_53 = arith.constant 0 : i32
    %dma_start3A_54 = arith.constant 0 : i32
    %dma_start3A_55 = tpu.memref_slice %arg13[%dma_start3A_53, %dma_start3A_54] : memref<10048x16xf32, #tpu.memory_space<vmem_shared>> -> memref<10048x16xf32, #tpu.memory_space<vmem_shared>>
    tpu.enqueue_indirect_dma source(%arg9 : memref<128x16xf32, #tpu.memory_space<vmem>>) target(%dma_start3A_55 : memref<10048x16xf32, #tpu.memory_space<vmem_shared>>) offsets(%dma_start3A_52 : memref<128xi32, #tpu.memory_space<vmem>>) semaphore(%arg19 : memref<!tpu.dma_semaphore, #tpu.memory_space<semaphore_mem>>) {add = true}
    %dma_start3A_56 = arith.constant 3 : i32
    %dma_start3A_57 = arith.constant 0 : i32
    %dma_start3A_58 = tpu.memref_slice %arg6[%dma_start3A_56, %dma_start3A_57] : memref<80x128xi32, #tpu.memory_space<vmem>> -> memref<1x128xi32, #tpu.memory_space<vmem>>
    %dma_start3A_59 = tpu.memref_squeeze %dma_start3A_58 : memref<1x128xi32, #tpu.memory_space<vmem>> -> memref<128xi32, #tpu.memory_space<vmem>>
    %dma_start3A_60 = arith.constant 0 : i32
    %dma_start3A_61 = arith.constant 0 : i32
    %dma_start3A_62 = tpu.memref_slice %arg12[%dma_start3A_60, %dma_start3A_61] : memref<10048x16xf32, #tpu.memory_space<vmem_shared>> -> memref<10048x16xf32, #tpu.memory_space<vmem_shared>>
    tpu.enqueue_indirect_dma source(%dma_start3A_62 : memref<10048x16xf32, #tpu.memory_space<vmem_shared>>) target(%arg11 : memref<128x16xf32, #tpu.memory_space<vmem>>) offsets(%dma_start3A_59 : memref<128xi32, #tpu.memory_space<vmem>>) semaphore(%arg17 : memref<!tpu.dma_semaphore, #tpu.memory_space<semaphore_mem>>)
    %dma_wait3A_63 = arith.constant 0 : i32
    %dma_wait3A_64 = arith.constant 0 : i32
    %dma_wait3A_65 = tpu.memref_slice %arg6[%dma_wait3A_63, %dma_wait3A_64] : memref<80x128xi32, #tpu.memory_space<vmem>> -> memref<1x128xi32, #tpu.memory_space<vmem>>
    %dma_wait3A_66 = tpu.memref_squeeze %dma_wait3A_65 : memref<1x128xi32, #tpu.memory_space<vmem>> -> memref<128xi32, #tpu.memory_space<vmem>>
    %dma_wait3A_67 = arith.constant 0 : i32
    %dma_wait3A_68 = arith.constant 0 : i32
    %dma_wait3A_69 = tpu.memref_slice %arg12[%dma_wait3A_67, %dma_wait3A_68] : memref<10048x16xf32, #tpu.memory_space<vmem_shared>> -> memref<10048x16xf32, #tpu.memory_space<vmem_shared>>
    tpu.wait_indirect_dma semaphore(%arg16 : memref<!tpu.dma_semaphore, #tpu.memory_space<semaphore_mem>>) src(%dma_wait3A_69 : memref<10048x16xf32, #tpu.memory_space<vmem_shared>>) dst(%arg10 : memref<128x16xf32, #tpu.memory_space<vmem>>)
    %dma_start3A_70 = arith.constant 2 : i32
    %dma_start3A_71 = arith.constant 0 : i32
    %dma_start3A_72 = tpu.memref_slice %arg7[%dma_start3A_70, %dma_start3A_71] : memref<80x128xi32, #tpu.memory_space<vmem>> -> memref<1x128xi32, #tpu.memory_space<vmem>>
    %dma_start3A_73 = tpu.memref_squeeze %dma_start3A_72 : memref<1x128xi32, #tpu.memory_space<vmem>> -> memref<128xi32, #tpu.memory_space<vmem>>
    %dma_start3A_74 = arith.constant 0 : i32
    %dma_start3A_75 = arith.constant 0 : i32
    %dma_start3A_76 = tpu.memref_slice %arg13[%dma_start3A_74, %dma_start3A_75] : memref<10048x16xf32, #tpu.memory_space<vmem_shared>> -> memref<10048x16xf32, #tpu.memory_space<vmem_shared>>
    tpu.enqueue_indirect_dma source(%arg10 : memref<128x16xf32, #tpu.memory_space<vmem>>) target(%dma_start3A_76 : memref<10048x16xf32, #tpu.memory_space<vmem_shared>>) offsets(%dma_start3A_73 : memref<128xi32, #tpu.memory_space<vmem>>) semaphore(%arg20 : memref<!tpu.dma_semaphore, #tpu.memory_space<semaphore_mem>>) {add = true}
    %dma_wait3A_77 = arith.constant 0 : i32
    %dma_wait3A_78 = arith.constant 0 : i32
    %dma_wait3A_79 = tpu.memref_slice %arg7[%dma_wait3A_77, %dma_wait3A_78] : memref<80x128xi32, #tpu.memory_space<vmem>> -> memref<1x128xi32, #tpu.memory_space<vmem>>
    %dma_wait3A_80 = tpu.memref_squeeze %dma_wait3A_79 : memref<1x128xi32, #tpu.memory_space<vmem>> -> memref<128xi32, #tpu.memory_space<vmem>>
    %dma_wait3A_81 = arith.constant 0 : i32
    %dma_wait3A_82 = arith.constant 0 : i32
    %dma_wait3A_83 = tpu.memref_slice %arg13[%dma_wait3A_81, %dma_wait3A_82] : memref<10048x16xf32, #tpu.memory_space<vmem_shared>> -> memref<10048x16xf32, #tpu.memory_space<vmem_shared>>
    tpu.wait_indirect_dma semaphore(%arg18 : memref<!tpu.dma_semaphore, #tpu.memory_space<semaphore_mem>>) src(%arg8 : memref<128x16xf32, #tpu.memory_space<vmem>>) dst(%dma_wait3A_83 : memref<10048x16xf32, #tpu.memory_space<vmem_shared>>)
    %dma_start3A_84 = arith.constant 4 : i32
    %dma_start3A_85 = arith.constant 0 : i32
    %dma_start3A_86 = tpu.memref_slice %arg6[%dma_start3A_84, %dma_start3A_85] : memref<80x128xi32, #tpu.memory_space<vmem>> -> memref<1x128xi32, #tpu.memory_space<vmem>>
    %dma_start3A_87 = tpu.memref_squeeze %dma_start3A_86 : memref<1x128xi32, #tpu.memory_space<vmem>> -> memref<128xi32, #tpu.memory_space<vmem>>
    %dma_start3A_88 = arith.constant 0 : i32
    %dma_start3A_89 = arith.constant 0 : i32
    %dma_start3A_90 = tpu.memref_slice %arg12[%dma_start3A_88, %dma_start3A_89] : memref<10048x16xf32, #tpu.memory_space<vmem_shared>> -> memref<10048x16xf32, #tpu.memory_space<vmem_shared>>
    tpu.enqueue_indirect_dma source(%dma_start3A_90 : memref<10048x16xf32, #tpu.memory_space<vmem_shared>>) target(%arg8 : memref<128x16xf32, #tpu.memory_space<vmem>>) offsets(%dma_start3A_87 : memref<128xi32, #tpu.memory_space<vmem>>) semaphore(%arg14 : memref<!tpu.dma_semaphore, #tpu.memory_space<semaphore_mem>>)
    %dma_wait3A_91 = arith.constant 0 : i32
    %dma_wait3A_92 = arith.constant 0 : i32
    %dma_wait3A_93 = tpu.memref_slice %arg6[%dma_wait3A_91, %dma_wait3A_92] : memref<80x128xi32, #tpu.memory_space<vmem>> -> memref<1x128xi32, #tpu.memory_space<vmem>>
    %dma_wait3A_94 = tpu.memref_squeeze %dma_wait3A_93 : memref<1x128xi32, #tpu.memory_space<vmem>> -> memref<128xi32, #tpu.memory_space<vmem>>
    %dma_wait3A_95 = arith.constant 0 : i32
    %dma_wait3A_96 = arith.constant 0 : i32
    %dma_wait3A_97 = tpu.memref_slice %arg12[%dma_wait3A_95, %dma_wait3A_96] : memref<10048x16xf32, #tpu.memory_space<vmem_shared>> -> memref<10048x16xf32, #tpu.memory_space<vmem_shared>>
    tpu.wait_indirect_dma semaphore(%arg17 : memref<!tpu.dma_semaphore, #tpu.memory_space<semaphore_mem>>) src(%dma_wait3A_97 : memref<10048x16xf32, #tpu.memory_space<vmem_shared>>) dst(%arg11 : memref<128x16xf32, #tpu.memory_space<vmem>>)
    %dma_start3A_98 = arith.constant 3 : i32
    %dma_start3A_99 = arith.constant 0 : i32
    %dma_start3A_100 = tpu.memref_slice %arg7[%dma_start3A_98, %dma_start3A_99] : memref<80x128xi32, #tpu.memory_space<vmem>> -> memref<1x128xi32, #tpu.memory_space<vmem>>
    %dma_start3A_101 = tpu.memref_squeeze %dma_start3A_100 : memref<1x128xi32, #tpu.memory_space<vmem>> -> memref<128xi32, #tpu.memory_space<vmem>>
    %dma_start3A_102 = arith.constant 0 : i32
    %dma_start3A_103 = arith.constant 0 : i32
    %dma_start3A_104 = tpu.memref_slice %arg13[%dma_start3A_102, %dma_start3A_103] : memref<10048x16xf32, #tpu.memory_space<vmem_shared>> -> memref<10048x16xf32, #tpu.memory_space<vmem_shared>>
    tpu.enqueue_indirect_dma source(%arg11 : memref<128x16xf32, #tpu.memory_space<vmem>>) target(%dma_start3A_104 : memref<10048x16xf32, #tpu.memory_space<vmem_shared>>) offsets(%dma_start3A_101 : memref<128xi32, #tpu.memory_space<vmem>>) semaphore(%arg21 : memref<!tpu.dma_semaphore, #tpu.memory_space<semaphore_mem>>) {add = true}
    %dma_wait3A_105 = arith.constant 0 : i32
    %dma_wait3A_106 = arith.constant 0 : i32
    %dma_wait3A_107 = tpu.memref_slice %arg7[%dma_wait3A_105, %dma_wait3A_106] : memref<80x128xi32, #tpu.memory_space<vmem>> -> memref<1x128xi32, #tpu.memory_space<vmem>>
    %dma_wait3A_108 = tpu.memref_squeeze %dma_wait3A_107 : memref<1x128xi32, #tpu.memory_space<vmem>> -> memref<128xi32, #tpu.memory_space<vmem>>
    %dma_wait3A_109 = arith.constant 0 : i32
    %dma_wait3A_110 = arith.constant 0 : i32
    %dma_wait3A_111 = tpu.memref_slice %arg13[%dma_wait3A_109, %dma_wait3A_110] : memref<10048x16xf32, #tpu.memory_space<vmem_shared>> -> memref<10048x16xf32, #tpu.memory_space<vmem_shared>>
    tpu.wait_indirect_dma semaphore(%arg19 : memref<!tpu.dma_semaphore, #tpu.memory_space<semaphore_mem>>) src(%arg9 : memref<128x16xf32, #tpu.memory_space<vmem>>) dst(%dma_wait3A_111 : memref<10048x16xf32, #tpu.memory_space<vmem_shared>>)
    %dma_start3A_112 = arith.constant 5 : i32
    %dma_start3A_113 = arith.constant 0 : i32
    %dma_start3A_114 = tpu.memref_slice %arg6[%dma_start3A_112, %dma_start3A_113] : memref<80x128xi32, #tpu.memory_space<vmem>> -> memref<1x128xi32, #tpu.memory_space<vmem>>
    %dma_start3A_115 = tpu.memref_squeeze %dma_start3A_114 : memref<1x128xi32, #tpu.memory_space<vmem>> -> memref<128xi32, #tpu.memory_space<vmem>>
    %dma_start3A_116 = arith.constant 0 : i32
    %dma_start3A_117 = arith.constant 0 : i32
    %dma_start3A_118 = tpu.memref_slice %arg12[%dma_start3A_116, %dma_start3A_117] : memref<10048x16xf32, #tpu.memory_space<vmem_shared>> -> memref<10048x16xf32, #tpu.memory_space<vmem_shared>>
    tpu.enqueue_indirect_dma source(%dma_start3A_118 : memref<10048x16xf32, #tpu.memory_space<vmem_shared>>) target(%arg9 : memref<128x16xf32, #tpu.memory_space<vmem>>) offsets(%dma_start3A_115 : memref<128xi32, #tpu.memory_space<vmem>>) semaphore(%arg15 : memref<!tpu.dma_semaphore, #tpu.memory_space<semaphore_mem>>)
    %dma_wait3A_119 = arith.constant 0 : i32
    %dma_wait3A_120 = arith.constant 0 : i32
    %dma_wait3A_121 = tpu.memref_slice %arg6[%dma_wait3A_119, %dma_wait3A_120] : memref<80x128xi32, #tpu.memory_space<vmem>> -> memref<1x128xi32, #tpu.memory_space<vmem>>
    %dma_wait3A_122 = tpu.memref_squeeze %dma_wait3A_121 : memref<1x128xi32, #tpu.memory_space<vmem>> -> memref<128xi32, #tpu.memory_space<vmem>>
    %dma_wait3A_123 = arith.constant 0 : i32
    %dma_wait3A_124 = arith.constant 0 : i32
    %dma_wait3A_125 = tpu.memref_slice %arg12[%dma_wait3A_123, %dma_wait3A_124] : memref<10048x16xf32, #tpu.memory_space<vmem_shared>> -> memref<10048x16xf32, #tpu.memory_space<vmem_shared>>
    tpu.wait_indirect_dma semaphore(%arg14 : memref<!tpu.dma_semaphore, #tpu.memory_space<semaphore_mem>>) src(%dma_wait3A_125 : memref<10048x16xf32, #tpu.memory_space<vmem_shared>>) dst(%arg8 : memref<128x16xf32, #tpu.memory_space<vmem>>)
    %dma_start3A_126 = arith.constant 4 : i32
    %dma_start3A_127 = arith.constant 0 : i32
    %dma_start3A_128 = tpu.memref_slice %arg7[%dma_start3A_126, %dma_start3A_127] : memref<80x128xi32, #tpu.memory_space<vmem>> -> memref<1x128xi32, #tpu.memory_space<vmem>>
    %dma_start3A_129 = tpu.memref_squeeze %dma_start3A_128 : memref<1x128xi32, #tpu.memory_space<vmem>> -> memref<128xi32, #tpu.memory_space<vmem>>
    %dma_start3A_130 = arith.constant 0 : i32
    %dma_start3A_131 = arith.constant 0 : i32
    %dma_start3A_132 = tpu.memref_slice %arg13[%dma_start3A_130, %dma_start3A_131] : memref<10048x16xf32, #tpu.memory_space<vmem_shared>> -> memref<10048x16xf32, #tpu.memory_space<vmem_shared>>
    tpu.enqueue_indirect_dma source(%arg8 : memref<128x16xf32, #tpu.memory_space<vmem>>) target(%dma_start3A_132 : memref<10048x16xf32, #tpu.memory_space<vmem_shared>>) offsets(%dma_start3A_129 : memref<128xi32, #tpu.memory_space<vmem>>) semaphore(%arg18 : memref<!tpu.dma_semaphore, #tpu.memory_space<semaphore_mem>>) {add = true}
    %dma_wait3A_133 = arith.constant 0 : i32
    %dma_wait3A_134 = arith.constant 0 : i32
    %dma_wait3A_135 = tpu.memref_slice %arg7[%dma_wait3A_133, %dma_wait3A_134] : memref<80x128xi32, #tpu.memory_space<vmem>> -> memref<1x128xi32, #tpu.memory_space<vmem>>
    %dma_wait3A_136 = tpu.memref_squeeze %dma_wait3A_135 : memref<1x128xi32, #tpu.memory_space<vmem>> -> memref<128xi32, #tpu.memory_space<vmem>>
    %dma_wait3A_137 = arith.constant 0 : i32
    %dma_wait3A_138 = arith.constant 0 : i32
    %dma_wait3A_139 = tpu.memref_slice %arg13[%dma_wait3A_137, %dma_wait3A_138] : memref<10048x16xf32, #tpu.memory_space<vmem_shared>> -> memref<10048x16xf32, #tpu.memory_space<vmem_shared>>
    tpu.wait_indirect_dma semaphore(%arg20 : memref<!tpu.dma_semaphore, #tpu.memory_space<semaphore_mem>>) src(%arg10 : memref<128x16xf32, #tpu.memory_space<vmem>>) dst(%dma_wait3A_139 : memref<10048x16xf32, #tpu.memory_space<vmem_shared>>)
    %dma_start3A_140 = arith.constant 6 : i32
    %dma_start3A_141 = arith.constant 0 : i32
    %dma_start3A_142 = tpu.memref_slice %arg6[%dma_start3A_140, %dma_start3A_141] : memref<80x128xi32, #tpu.memory_space<vmem>> -> memref<1x128xi32, #tpu.memory_space<vmem>>
    %dma_start3A_143 = tpu.memref_squeeze %dma_start3A_142 : memref<1x128xi32, #tpu.memory_space<vmem>> -> memref<128xi32, #tpu.memory_space<vmem>>
    %dma_start3A_144 = arith.constant 0 : i32
    %dma_start3A_145 = arith.constant 0 : i32
    %dma_start3A_146 = tpu.memref_slice %arg12[%dma_start3A_144, %dma_start3A_145] : memref<10048x16xf32, #tpu.memory_space<vmem_shared>> -> memref<10048x16xf32, #tpu.memory_space<vmem_shared>>
    tpu.enqueue_indirect_dma source(%dma_start3A_146 : memref<10048x16xf32, #tpu.memory_space<vmem_shared>>) target(%arg10 : memref<128x16xf32, #tpu.memory_space<vmem>>) offsets(%dma_start3A_143 : memref<128xi32, #tpu.memory_space<vmem>>) semaphore(%arg16 : memref<!tpu.dma_semaphore, #tpu.memory_space<semaphore_mem>>)
    %dma_wait3A_147 = arith.constant 0 : i32
    %dma_wait3A_148 = arith.constant 0 : i32
    %dma_wait3A_149 = tpu.memref_slice %arg6[%dma_wait3A_147, %dma_wait3A_148] : memref<80x128xi32, #tpu.memory_space<vmem>> -> memref<1x128xi32, #tpu.memory_space<vmem>>
    %dma_wait3A_150 = tpu.memref_squeeze %dma_wait3A_149 : memref<1x128xi32, #tpu.memory_space<vmem>> -> memref<128xi32, #tpu.memory_space<vmem>>
    %dma_wait3A_151 = arith.constant 0 : i32
    %dma_wait3A_152 = arith.constant 0 : i32
    %dma_wait3A_153 = tpu.memref_slice %arg12[%dma_wait3A_151, %dma_wait3A_152] : memref<10048x16xf32, #tpu.memory_space<vmem_shared>> -> memref<10048x16xf32, #tpu.memory_space<vmem_shared>>
    tpu.wait_indirect_dma semaphore(%arg15 : memref<!tpu.dma_semaphore, #tpu.memory_space<semaphore_mem>>) src(%dma_wait3A_153 : memref<10048x16xf32, #tpu.memory_space<vmem_shared>>) dst(%arg9 : memref<128x16xf32, #tpu.memory_space<vmem>>)
    %dma_start3A_154 = arith.constant 5 : i32
    %dma_start3A_155 = arith.constant 0 : i32
    %dma_start3A_156 = tpu.memref_slice %arg7[%dma_start3A_154, %dma_start3A_155] : memref<80x128xi32, #tpu.memory_space<vmem>> -> memref<1x128xi32, #tpu.memory_space<vmem>>
    %dma_start3A_157 = tpu.memref_squeeze %dma_start3A_156 : memref<1x128xi32, #tpu.memory_space<vmem>> -> memref<128xi32, #tpu.memory_space<vmem>>
    %dma_start3A_158 = arith.constant 0 : i32
    %dma_start3A_159 = arith.constant 0 : i32
    %dma_start3A_160 = tpu.memref_slice %arg13[%dma_start3A_158, %dma_start3A_159] : memref<10048x16xf32, #tpu.memory_space<vmem_shared>> -> memref<10048x16xf32, #tpu.memory_space<vmem_shared>>
    tpu.enqueue_indirect_dma source(%arg9 : memref<128x16xf32, #tpu.memory_space<vmem>>) target(%dma_start3A_160 : memref<10048x16xf32, #tpu.memory_space<vmem_shared>>) offsets(%dma_start3A_157 : memref<128xi32, #tpu.memory_space<vmem>>) semaphore(%arg19 : memref<!tpu.dma_semaphore, #tpu.memory_space<semaphore_mem>>) {add = true}
    %dma_wait3A_161 = arith.constant 0 : i32
    %dma_wait3A_162 = arith.constant 0 : i32
    %dma_wait3A_163 = tpu.memref_slice %arg7[%dma_wait3A_161, %dma_wait3A_162] : memref<80x128xi32, #tpu.memory_space<vmem>> -> memref<1x128xi32, #tpu.memory_space<vmem>>
    %dma_wait3A_164 = tpu.memref_squeeze %dma_wait3A_163 : memref<1x128xi32, #tpu.memory_space<vmem>> -> memref<128xi32, #tpu.memory_space<vmem>>
    %dma_wait3A_165 = arith.constant 0 : i32
    %dma_wait3A_166 = arith.constant 0 : i32
    %dma_wait3A_167 = tpu.memref_slice %arg13[%dma_wait3A_165, %dma_wait3A_166] : memref<10048x16xf32, #tpu.memory_space<vmem_shared>> -> memref<10048x16xf32, #tpu.memory_space<vmem_shared>>
    tpu.wait_indirect_dma semaphore(%arg21 : memref<!tpu.dma_semaphore, #tpu.memory_space<semaphore_mem>>) src(%arg11 : memref<128x16xf32, #tpu.memory_space<vmem>>) dst(%dma_wait3A_167 : memref<10048x16xf32, #tpu.memory_space<vmem_shared>>)
    %dma_start3A_168 = arith.constant 7 : i32
    %dma_start3A_169 = arith.constant 0 : i32
    %dma_start3A_170 = tpu.memref_slice %arg6[%dma_start3A_168, %dma_start3A_169] : memref<80x128xi32, #tpu.memory_space<vmem>> -> memref<1x128xi32, #tpu.memory_space<vmem>>
    %dma_start3A_171 = tpu.memref_squeeze %dma_start3A_170 : memref<1x128xi32, #tpu.memory_space<vmem>> -> memref<128xi32, #tpu.memory_space<vmem>>
    %dma_start3A_172 = arith.constant 0 : i32
    %dma_start3A_173 = arith.constant 0 : i32
    %dma_start3A_174 = tpu.memref_slice %arg12[%dma_start3A_172, %dma_start3A_173] : memref<10048x16xf32, #tpu.memory_space<vmem_shared>> -> memref<10048x16xf32, #tpu.memory_space<vmem_shared>>
    tpu.enqueue_indirect_dma source(%dma_start3A_174 : memref<10048x16xf32, #tpu.memory_space<vmem_shared>>) target(%arg11 : memref<128x16xf32, #tpu.memory_space<vmem>>) offsets(%dma_start3A_171 : memref<128xi32, #tpu.memory_space<vmem>>) semaphore(%arg17 : memref<!tpu.dma_semaphore, #tpu.memory_space<semaphore_mem>>)
    %dma_wait3A_175 = arith.constant 0 : i32
    %dma_wait3A_176 = arith.constant 0 : i32
    %dma_wait3A_177 = tpu.memref_slice %arg6[%dma_wait3A_175, %dma_wait3A_176] : memref<80x128xi32, #tpu.memory_space<vmem>> -> memref<1x128xi32, #tpu.memory_space<vmem>>
    %dma_wait3A_178 = tpu.memref_squeeze %dma_wait3A_177 : memref<1x128xi32, #tpu.memory_space<vmem>> -> memref<128xi32, #tpu.memory_space<vmem>>
    %dma_wait3A_179 = arith.constant 0 : i32
    %dma_wait3A_180 = arith.constant 0 : i32
    %dma_wait3A_181 = tpu.memref_slice %arg12[%dma_wait3A_179, %dma_wait3A_180] : memref<10048x16xf32, #tpu.memory_space<vmem_shared>> -> memref<10048x16xf32, #tpu.memory_space<vmem_shared>>
    tpu.wait_indirect_dma semaphore(%arg16 : memref<!tpu.dma_semaphore, #tpu.memory_space<semaphore_mem>>) src(%dma_wait3A_181 : memref<10048x16xf32, #tpu.memory_space<vmem_shared>>) dst(%arg10 : memref<128x16xf32, #tpu.memory_space<vmem>>)
    %dma_start3A_182 = arith.constant 6 : i32
    %dma_start3A_183 = arith.constant 0 : i32
    %dma_start3A_184 = tpu.memref_slice %arg7[%dma_start3A_182, %dma_start3A_183] : memref<80x128xi32, #tpu.memory_space<vmem>> -> memref<1x128xi32, #tpu.memory_space<vmem>>
    %dma_start3A_185 = tpu.memref_squeeze %dma_start3A_184 : memref<1x128xi32, #tpu.memory_space<vmem>> -> memref<128xi32, #tpu.memory_space<vmem>>
    %dma_start3A_186 = arith.constant 0 : i32
    %dma_start3A_187 = arith.constant 0 : i32
    %dma_start3A_188 = tpu.memref_slice %arg13[%dma_start3A_186, %dma_start3A_187] : memref<10048x16xf32, #tpu.memory_space<vmem_shared>> -> memref<10048x16xf32, #tpu.memory_space<vmem_shared>>
    tpu.enqueue_indirect_dma source(%arg10 : memref<128x16xf32, #tpu.memory_space<vmem>>) target(%dma_start3A_188 : memref<10048x16xf32, #tpu.memory_space<vmem_shared>>) offsets(%dma_start3A_185 : memref<128xi32, #tpu.memory_space<vmem>>) semaphore(%arg20 : memref<!tpu.dma_semaphore, #tpu.memory_space<semaphore_mem>>) {add = true}
    %dma_wait3A_189 = arith.constant 0 : i32
    %dma_wait3A_190 = arith.constant 0 : i32
    %dma_wait3A_191 = tpu.memref_slice %arg7[%dma_wait3A_189, %dma_wait3A_190] : memref<80x128xi32, #tpu.memory_space<vmem>> -> memref<1x128xi32, #tpu.memory_space<vmem>>
    %dma_wait3A_192 = tpu.memref_squeeze %dma_wait3A_191 : memref<1x128xi32, #tpu.memory_space<vmem>> -> memref<128xi32, #tpu.memory_space<vmem>>
    %dma_wait3A_193 = arith.constant 0 : i32
    %dma_wait3A_194 = arith.constant 0 : i32
    %dma_wait3A_195 = tpu.memref_slice %arg13[%dma_wait3A_193, %dma_wait3A_194] : memref<10048x16xf32, #tpu.memory_space<vmem_shared>> -> memref<10048x16xf32, #tpu.memory_space<vmem_shared>>
    tpu.wait_indirect_dma semaphore(%arg18 : memref<!tpu.dma_semaphore, #tpu.memory_space<semaphore_mem>>) src(%arg8 : memref<128x16xf32, #tpu.memory_space<vmem>>) dst(%dma_wait3A_195 : memref<10048x16xf32, #tpu.memory_space<vmem_shared>>)
    %dma_start3A_196 = arith.constant 8 : i32
    %dma_start3A_197 = arith.constant 0 : i32
    %dma_start3A_198 = tpu.memref_slice %arg6[%dma_start3A_196, %dma_start3A_197] : memref<80x128xi32, #tpu.memory_space<vmem>> -> memref<1x128xi32, #tpu.memory_space<vmem>>
    %dma_start3A_199 = tpu.memref_squeeze %dma_start3A_198 : memref<1x128xi32, #tpu.memory_space<vmem>> -> memref<128xi32, #tpu.memory_space<vmem>>
    %dma_start3A_200 = arith.constant 0 : i32
    %dma_start3A_201 = arith.constant 0 : i32
    %dma_start3A_202 = tpu.memref_slice %arg12[%dma_start3A_200, %dma_start3A_201] : memref<10048x16xf32, #tpu.memory_space<vmem_shared>> -> memref<10048x16xf32, #tpu.memory_space<vmem_shared>>
    tpu.enqueue_indirect_dma source(%dma_start3A_202 : memref<10048x16xf32, #tpu.memory_space<vmem_shared>>) target(%arg8 : memref<128x16xf32, #tpu.memory_space<vmem>>) offsets(%dma_start3A_199 : memref<128xi32, #tpu.memory_space<vmem>>) semaphore(%arg14 : memref<!tpu.dma_semaphore, #tpu.memory_space<semaphore_mem>>)
    %dma_wait3A_203 = arith.constant 0 : i32
    %dma_wait3A_204 = arith.constant 0 : i32
    %dma_wait3A_205 = tpu.memref_slice %arg6[%dma_wait3A_203, %dma_wait3A_204] : memref<80x128xi32, #tpu.memory_space<vmem>> -> memref<1x128xi32, #tpu.memory_space<vmem>>
    %dma_wait3A_206 = tpu.memref_squeeze %dma_wait3A_205 : memref<1x128xi32, #tpu.memory_space<vmem>> -> memref<128xi32, #tpu.memory_space<vmem>>
    %dma_wait3A_207 = arith.constant 0 : i32
    %dma_wait3A_208 = arith.constant 0 : i32
    %dma_wait3A_209 = tpu.memref_slice %arg12[%dma_wait3A_207, %dma_wait3A_208] : memref<10048x16xf32, #tpu.memory_space<vmem_shared>> -> memref<10048x16xf32, #tpu.memory_space<vmem_shared>>
    tpu.wait_indirect_dma semaphore(%arg17 : memref<!tpu.dma_semaphore, #tpu.memory_space<semaphore_mem>>) src(%dma_wait3A_209 : memref<10048x16xf32, #tpu.memory_space<vmem_shared>>) dst(%arg11 : memref<128x16xf32, #tpu.memory_space<vmem>>)
    %dma_start3A_210 = arith.constant 7 : i32
    %dma_start3A_211 = arith.constant 0 : i32
    %dma_start3A_212 = tpu.memref_slice %arg7[%dma_start3A_210, %dma_start3A_211] : memref<80x128xi32, #tpu.memory_space<vmem>> -> memref<1x128xi32, #tpu.memory_space<vmem>>
    %dma_start3A_213 = tpu.memref_squeeze %dma_start3A_212 : memref<1x128xi32, #tpu.memory_space<vmem>> -> memref<128xi32, #tpu.memory_space<vmem>>
    %dma_start3A_214 = arith.constant 0 : i32
    %dma_start3A_215 = arith.constant 0 : i32
    %dma_start3A_216 = tpu.memref_slice %arg13[%dma_start3A_214, %dma_start3A_215] : memref<10048x16xf32, #tpu.memory_space<vmem_shared>> -> memref<10048x16xf32, #tpu.memory_space<vmem_shared>>
    tpu.enqueue_indirect_dma source(%arg11 : memref<128x16xf32, #tpu.memory_space<vmem>>) target(%dma_start3A_216 : memref<10048x16xf32, #tpu.memory_space<vmem_shared>>) offsets(%dma_start3A_213 : memref<128xi32, #tpu.memory_space<vmem>>) semaphore(%arg21 : memref<!tpu.dma_semaphore, #tpu.memory_space<semaphore_mem>>) {add = true}
    %dma_wait3A_217 = arith.constant 0 : i32
    %dma_wait3A_218 = arith.constant 0 : i32
    %dma_wait3A_219 = tpu.memref_slice %arg7[%dma_wait3A_217, %dma_wait3A_218] : memref<80x128xi32, #tpu.memory_space<vmem>> -> memref<1x128xi32, #tpu.memory_space<vmem>>
    %dma_wait3A_220 = tpu.memref_squeeze %dma_wait3A_219 : memref<1x128xi32, #tpu.memory_space<vmem>> -> memref<128xi32, #tpu.memory_space<vmem>>
    %dma_wait3A_221 = arith.constant 0 : i32
    %dma_wait3A_222 = arith.constant 0 : i32
    %dma_wait3A_223 = tpu.memref_slice %arg13[%dma_wait3A_221, %dma_wait3A_222] : memref<10048x16xf32, #tpu.memory_space<vmem_shared>> -> memref<10048x16xf32, #tpu.memory_space<vmem_shared>>
    tpu.wait_indirect_dma semaphore(%arg19 : memref<!tpu.dma_semaphore, #tpu.memory_space<semaphore_mem>>) src(%arg9 : memref<128x16xf32, #tpu.memory_space<vmem>>) dst(%dma_wait3A_223 : memref<10048x16xf32, #tpu.memory_space<vmem_shared>>)
    %dma_start3A_224 = arith.constant 9 : i32
    %dma_start3A_225 = arith.constant 0 : i32
    %dma_start3A_226 = tpu.memref_slice %arg6[%dma_start3A_224, %dma_start3A_225] : memref<80x128xi32, #tpu.memory_space<vmem>> -> memref<1x128xi32, #tpu.memory_space<vmem>>
    %dma_start3A_227 = tpu.memref_squeeze %dma_start3A_226 : memref<1x128xi32, #tpu.memory_space<vmem>> -> memref<128xi32, #tpu.memory_space<vmem>>
    %dma_start3A_228 = arith.constant 0 : i32
    %dma_start3A_229 = arith.constant 0 : i32
    %dma_start3A_230 = tpu.memref_slice %arg12[%dma_start3A_228, %dma_start3A_229] : memref<10048x16xf32, #tpu.memory_space<vmem_shared>> -> memref<10048x16xf32, #tpu.memory_space<vmem_shared>>
    tpu.enqueue_indirect_dma source(%dma_start3A_230 : memref<10048x16xf32, #tpu.memory_space<vmem_shared>>) target(%arg9 : memref<128x16xf32, #tpu.memory_space<vmem>>) offsets(%dma_start3A_227 : memref<128xi32, #tpu.memory_space<vmem>>) semaphore(%arg15 : memref<!tpu.dma_semaphore, #tpu.memory_space<semaphore_mem>>)
    %dma_wait3A_231 = arith.constant 0 : i32
    %dma_wait3A_232 = arith.constant 0 : i32
    %dma_wait3A_233 = tpu.memref_slice %arg6[%dma_wait3A_231, %dma_wait3A_232] : memref<80x128xi32, #tpu.memory_space<vmem>> -> memref<1x128xi32, #tpu.memory_space<vmem>>
    %dma_wait3A_234 = tpu.memref_squeeze %dma_wait3A_233 : memref<1x128xi32, #tpu.memory_space<vmem>> -> memref<128xi32, #tpu.memory_space<vmem>>
    %dma_wait3A_235 = arith.constant 0 : i32
    %dma_wait3A_236 = arith.constant 0 : i32
    %dma_wait3A_237 = tpu.memref_slice %arg12[%dma_wait3A_235, %dma_wait3A_236] : memref<10048x16xf32, #tpu.memory_space<vmem_shared>> -> memref<10048x16xf32, #tpu.memory_space<vmem_shared>>
    tpu.wait_indirect_dma semaphore(%arg14 : memref<!tpu.dma_semaphore, #tpu.memory_space<semaphore_mem>>) src(%dma_wait3A_237 : memref<10048x16xf32, #tpu.memory_space<vmem_shared>>) dst(%arg8 : memref<128x16xf32, #tpu.memory_space<vmem>>)
    %dma_start3A_238 = arith.constant 8 : i32
    %dma_start3A_239 = arith.constant 0 : i32
    %dma_start3A_240 = tpu.memref_slice %arg7[%dma_start3A_238, %dma_start3A_239] : memref<80x128xi32, #tpu.memory_space<vmem>> -> memref<1x128xi32, #tpu.memory_space<vmem>>
    %dma_start3A_241 = tpu.memref_squeeze %dma_start3A_240 : memref<1x128xi32, #tpu.memory_space<vmem>> -> memref<128xi32, #tpu.memory_space<vmem>>
    %dma_start3A_242 = arith.constant 0 : i32
    %dma_start3A_243 = arith.constant 0 : i32
    %dma_start3A_244 = tpu.memref_slice %arg13[%dma_start3A_242, %dma_start3A_243] : memref<10048x16xf32, #tpu.memory_space<vmem_shared>> -> memref<10048x16xf32, #tpu.memory_space<vmem_shared>>
    tpu.enqueue_indirect_dma source(%arg8 : memref<128x16xf32, #tpu.memory_space<vmem>>) target(%dma_start3A_244 : memref<10048x16xf32, #tpu.memory_space<vmem_shared>>) offsets(%dma_start3A_241 : memref<128xi32, #tpu.memory_space<vmem>>) semaphore(%arg18 : memref<!tpu.dma_semaphore, #tpu.memory_space<semaphore_mem>>) {add = true}
    %dma_wait3A_245 = arith.constant 0 : i32
    %dma_wait3A_246 = arith.constant 0 : i32
    %dma_wait3A_247 = tpu.memref_slice %arg7[%dma_wait3A_245, %dma_wait3A_246] : memref<80x128xi32, #tpu.memory_space<vmem>> -> memref<1x128xi32, #tpu.memory_space<vmem>>
    %dma_wait3A_248 = tpu.memref_squeeze %dma_wait3A_247 : memref<1x128xi32, #tpu.memory_space<vmem>> -> memref<128xi32, #tpu.memory_space<vmem>>
    %dma_wait3A_249 = arith.constant 0 : i32
    %dma_wait3A_250 = arith.constant 0 : i32
    %dma_wait3A_251 = tpu.memref_slice %arg13[%dma_wait3A_249, %dma_wait3A_250] : memref<10048x16xf32, #tpu.memory_space<vmem_shared>> -> memref<10048x16xf32, #tpu.memory_space<vmem_shared>>
    tpu.wait_indirect_dma semaphore(%arg20 : memref<!tpu.dma_semaphore, #tpu.memory_space<semaphore_mem>>) src(%arg10 : memref<128x16xf32, #tpu.memory_space<vmem>>) dst(%dma_wait3A_251 : memref<10048x16xf32, #tpu.memory_space<vmem_shared>>)
    %dma_start3A_252 = arith.constant 10 : i32
    %dma_start3A_253 = arith.constant 0 : i32
    %dma_start3A_254 = tpu.memref_slice %arg6[%dma_start3A_252, %dma_start3A_253] : memref<80x128xi32, #tpu.memory_space<vmem>> -> memref<1x128xi32, #tpu.memory_space<vmem>>
    %dma_start3A_255 = tpu.memref_squeeze %dma_start3A_254 : memref<1x128xi32, #tpu.memory_space<vmem>> -> memref<128xi32, #tpu.memory_space<vmem>>
    %dma_start3A_256 = arith.constant 0 : i32
    %dma_start3A_257 = arith.constant 0 : i32
    %dma_start3A_258 = tpu.memref_slice %arg12[%dma_start3A_256, %dma_start3A_257] : memref<10048x16xf32, #tpu.memory_space<vmem_shared>> -> memref<10048x16xf32, #tpu.memory_space<vmem_shared>>
    tpu.enqueue_indirect_dma source(%dma_start3A_258 : memref<10048x16xf32, #tpu.memory_space<vmem_shared>>) target(%arg10 : memref<128x16xf32, #tpu.memory_space<vmem>>) offsets(%dma_start3A_255 : memref<128xi32, #tpu.memory_space<vmem>>) semaphore(%arg16 : memref<!tpu.dma_semaphore, #tpu.memory_space<semaphore_mem>>)
    %dma_wait3A_259 = arith.constant 0 : i32
    %dma_wait3A_260 = arith.constant 0 : i32
    %dma_wait3A_261 = tpu.memref_slice %arg6[%dma_wait3A_259, %dma_wait3A_260] : memref<80x128xi32, #tpu.memory_space<vmem>> -> memref<1x128xi32, #tpu.memory_space<vmem>>
    %dma_wait3A_262 = tpu.memref_squeeze %dma_wait3A_261 : memref<1x128xi32, #tpu.memory_space<vmem>> -> memref<128xi32, #tpu.memory_space<vmem>>
    %dma_wait3A_263 = arith.constant 0 : i32
    %dma_wait3A_264 = arith.constant 0 : i32
    %dma_wait3A_265 = tpu.memref_slice %arg12[%dma_wait3A_263, %dma_wait3A_264] : memref<10048x16xf32, #tpu.memory_space<vmem_shared>> -> memref<10048x16xf32, #tpu.memory_space<vmem_shared>>
    tpu.wait_indirect_dma semaphore(%arg15 : memref<!tpu.dma_semaphore, #tpu.memory_space<semaphore_mem>>) src(%dma_wait3A_265 : memref<10048x16xf32, #tpu.memory_space<vmem_shared>>) dst(%arg9 : memref<128x16xf32, #tpu.memory_space<vmem>>)
    %dma_start3A_266 = arith.constant 9 : i32
    %dma_start3A_267 = arith.constant 0 : i32
    %dma_start3A_268 = tpu.memref_slice %arg7[%dma_start3A_266, %dma_start3A_267] : memref<80x128xi32, #tpu.memory_space<vmem>> -> memref<1x128xi32, #tpu.memory_space<vmem>>
    %dma_start3A_269 = tpu.memref_squeeze %dma_start3A_268 : memref<1x128xi32, #tpu.memory_space<vmem>> -> memref<128xi32, #tpu.memory_space<vmem>>
    %dma_start3A_270 = arith.constant 0 : i32
    %dma_start3A_271 = arith.constant 0 : i32
    %dma_start3A_272 = tpu.memref_slice %arg13[%dma_start3A_270, %dma_start3A_271] : memref<10048x16xf32, #tpu.memory_space<vmem_shared>> -> memref<10048x16xf32, #tpu.memory_space<vmem_shared>>
    tpu.enqueue_indirect_dma source(%arg9 : memref<128x16xf32, #tpu.memory_space<vmem>>) target(%dma_start3A_272 : memref<10048x16xf32, #tpu.memory_space<vmem_shared>>) offsets(%dma_start3A_269 : memref<128xi32, #tpu.memory_space<vmem>>) semaphore(%arg19 : memref<!tpu.dma_semaphore, #tpu.memory_space<semaphore_mem>>) {add = true}
    %dma_wait3A_273 = arith.constant 0 : i32
    %dma_wait3A_274 = arith.constant 0 : i32
    %dma_wait3A_275 = tpu.memref_slice %arg7[%dma_wait3A_273, %dma_wait3A_274] : memref<80x128xi32, #tpu.memory_space<vmem>> -> memref<1x128xi32, #tpu.memory_space<vmem>>
    %dma_wait3A_276 = tpu.memref_squeeze %dma_wait3A_275 : memref<1x128xi32, #tpu.memory_space<vmem>> -> memref<128xi32, #tpu.memory_space<vmem>>
    %dma_wait3A_277 = arith.constant 0 : i32
    %dma_wait3A_278 = arith.constant 0 : i32
    %dma_wait3A_279 = tpu.memref_slice %arg13[%dma_wait3A_277, %dma_wait3A_278] : memref<10048x16xf32, #tpu.memory_space<vmem_shared>> -> memref<10048x16xf32, #tpu.memory_space<vmem_shared>>
    tpu.wait_indirect_dma semaphore(%arg21 : memref<!tpu.dma_semaphore, #tpu.memory_space<semaphore_mem>>) src(%arg11 : memref<128x16xf32, #tpu.memory_space<vmem>>) dst(%dma_wait3A_279 : memref<10048x16xf32, #tpu.memory_space<vmem_shared>>)
    %dma_start3A_280 = arith.constant 11 : i32
    %dma_start3A_281 = arith.constant 0 : i32
    %dma_start3A_282 = tpu.memref_slice %arg6[%dma_start3A_280, %dma_start3A_281] : memref<80x128xi32, #tpu.memory_space<vmem>> -> memref<1x128xi32, #tpu.memory_space<vmem>>
    %dma_start3A_283 = tpu.memref_squeeze %dma_start3A_282 : memref<1x128xi32, #tpu.memory_space<vmem>> -> memref<128xi32, #tpu.memory_space<vmem>>
    %dma_start3A_284 = arith.constant 0 : i32
    %dma_start3A_285 = arith.constant 0 : i32
    %dma_start3A_286 = tpu.memref_slice %arg12[%dma_start3A_284, %dma_start3A_285] : memref<10048x16xf32, #tpu.memory_space<vmem_shared>> -> memref<10048x16xf32, #tpu.memory_space<vmem_shared>>
    tpu.enqueue_indirect_dma source(%dma_start3A_286 : memref<10048x16xf32, #tpu.memory_space<vmem_shared>>) target(%arg11 : memref<128x16xf32, #tpu.memory_space<vmem>>) offsets(%dma_start3A_283 : memref<128xi32, #tpu.memory_space<vmem>>) semaphore(%arg17 : memref<!tpu.dma_semaphore, #tpu.memory_space<semaphore_mem>>)
    %dma_wait3A_287 = arith.constant 0 : i32
    %dma_wait3A_288 = arith.constant 0 : i32
    %dma_wait3A_289 = tpu.memref_slice %arg6[%dma_wait3A_287, %dma_wait3A_288] : memref<80x128xi32, #tpu.memory_space<vmem>> -> memref<1x128xi32, #tpu.memory_space<vmem>>
    %dma_wait3A_290 = tpu.memref_squeeze %dma_wait3A_289 : memref<1x128xi32, #tpu.memory_space<vmem>> -> memref<128xi32, #tpu.memory_space<vmem>>
    %dma_wait3A_291 = arith.constant 0 : i32
    %dma_wait3A_292 = arith.constant 0 : i32
    %dma_wait3A_293 = tpu.memref_slice %arg12[%dma_wait3A_291, %dma_wait3A_292] : memref<10048x16xf32, #tpu.memory_space<vmem_shared>> -> memref<10048x16xf32, #tpu.memory_space<vmem_shared>>
    tpu.wait_indirect_dma semaphore(%arg16 : memref<!tpu.dma_semaphore, #tpu.memory_space<semaphore_mem>>) src(%dma_wait3A_293 : memref<10048x16xf32, #tpu.memory_space<vmem_shared>>) dst(%arg10 : memref<128x16xf32, #tpu.memory_space<vmem>>)
    %dma_start3A_294 = arith.constant 10 : i32
    %dma_start3A_295 = arith.constant 0 : i32
    %dma_start3A_296 = tpu.memref_slice %arg7[%dma_start3A_294, %dma_start3A_295] : memref<80x128xi32, #tpu.memory_space<vmem>> -> memref<1x128xi32, #tpu.memory_space<vmem>>
    %dma_start3A_297 = tpu.memref_squeeze %dma_start3A_296 : memref<1x128xi32, #tpu.memory_space<vmem>> -> memref<128xi32, #tpu.memory_space<vmem>>
    %dma_start3A_298 = arith.constant 0 : i32
    %dma_start3A_299 = arith.constant 0 : i32
    %dma_start3A_300 = tpu.memref_slice %arg13[%dma_start3A_298, %dma_start3A_299] : memref<10048x16xf32, #tpu.memory_space<vmem_shared>> -> memref<10048x16xf32, #tpu.memory_space<vmem_shared>>
    tpu.enqueue_indirect_dma source(%arg10 : memref<128x16xf32, #tpu.memory_space<vmem>>) target(%dma_start3A_300 : memref<10048x16xf32, #tpu.memory_space<vmem_shared>>) offsets(%dma_start3A_297 : memref<128xi32, #tpu.memory_space<vmem>>) semaphore(%arg20 : memref<!tpu.dma_semaphore, #tpu.memory_space<semaphore_mem>>) {add = true}
    %dma_wait3A_301 = arith.constant 0 : i32
    %dma_wait3A_302 = arith.constant 0 : i32
    %dma_wait3A_303 = tpu.memref_slice %arg7[%dma_wait3A_301, %dma_wait3A_302] : memref<80x128xi32, #tpu.memory_space<vmem>> -> memref<1x128xi32, #tpu.memory_space<vmem>>
    %dma_wait3A_304 = tpu.memref_squeeze %dma_wait3A_303 : memref<1x128xi32, #tpu.memory_space<vmem>> -> memref<128xi32, #tpu.memory_space<vmem>>
    %dma_wait3A_305 = arith.constant 0 : i32
    %dma_wait3A_306 = arith.constant 0 : i32
    %dma_wait3A_307 = tpu.memref_slice %arg13[%dma_wait3A_305, %dma_wait3A_306] : memref<10048x16xf32, #tpu.memory_space<vmem_shared>> -> memref<10048x16xf32, #tpu.memory_space<vmem_shared>>
    tpu.wait_indirect_dma semaphore(%arg18 : memref<!tpu.dma_semaphore, #tpu.memory_space<semaphore_mem>>) src(%arg8 : memref<128x16xf32, #tpu.memory_space<vmem>>) dst(%dma_wait3A_307 : memref<10048x16xf32, #tpu.memory_space<vmem_shared>>)
    %dma_start3A_308 = arith.constant 12 : i32
    %dma_start3A_309 = arith.constant 0 : i32
    %dma_start3A_310 = tpu.memref_slice %arg6[%dma_start3A_308, %dma_start3A_309] : memref<80x128xi32, #tpu.memory_space<vmem>> -> memref<1x128xi32, #tpu.memory_space<vmem>>
    %dma_start3A_311 = tpu.memref_squeeze %dma_start3A_310 : memref<1x128xi32, #tpu.memory_space<vmem>> -> memref<128xi32, #tpu.memory_space<vmem>>
    %dma_start3A_312 = arith.constant 0 : i32
    %dma_start3A_313 = arith.constant 0 : i32
    %dma_start3A_314 = tpu.memref_slice %arg12[%dma_start3A_312, %dma_start3A_313] : memref<10048x16xf32, #tpu.memory_space<vmem_shared>> -> memref<10048x16xf32, #tpu.memory_space<vmem_shared>>
    tpu.enqueue_indirect_dma source(%dma_start3A_314 : memref<10048x16xf32, #tpu.memory_space<vmem_shared>>) target(%arg8 : memref<128x16xf32, #tpu.memory_space<vmem>>) offsets(%dma_start3A_311 : memref<128xi32, #tpu.memory_space<vmem>>) semaphore(%arg14 : memref<!tpu.dma_semaphore, #tpu.memory_space<semaphore_mem>>)
    %dma_wait3A_315 = arith.constant 0 : i32
    %dma_wait3A_316 = arith.constant 0 : i32
    %dma_wait3A_317 = tpu.memref_slice %arg6[%dma_wait3A_315, %dma_wait3A_316] : memref<80x128xi32, #tpu.memory_space<vmem>> -> memref<1x128xi32, #tpu.memory_space<vmem>>
    %dma_wait3A_318 = tpu.memref_squeeze %dma_wait3A_317 : memref<1x128xi32, #tpu.memory_space<vmem>> -> memref<128xi32, #tpu.memory_space<vmem>>
    %dma_wait3A_319 = arith.constant 0 : i32
    %dma_wait3A_320 = arith.constant 0 : i32
    %dma_wait3A_321 = tpu.memref_slice %arg12[%dma_wait3A_319, %dma_wait3A_320] : memref<10048x16xf32, #tpu.memory_space<vmem_shared>> -> memref<10048x16xf32, #tpu.memory_space<vmem_shared>>
    tpu.wait_indirect_dma semaphore(%arg17 : memref<!tpu.dma_semaphore, #tpu.memory_space<semaphore_mem>>) src(%dma_wait3A_321 : memref<10048x16xf32, #tpu.memory_space<vmem_shared>>) dst(%arg11 : memref<128x16xf32, #tpu.memory_space<vmem>>)
    %dma_start3A_322 = arith.constant 11 : i32
    %dma_start3A_323 = arith.constant 0 : i32
    %dma_start3A_324 = tpu.memref_slice %arg7[%dma_start3A_322, %dma_start3A_323] : memref<80x128xi32, #tpu.memory_space<vmem>> -> memref<1x128xi32, #tpu.memory_space<vmem>>
    %dma_start3A_325 = tpu.memref_squeeze %dma_start3A_324 : memref<1x128xi32, #tpu.memory_space<vmem>> -> memref<128xi32, #tpu.memory_space<vmem>>
    %dma_start3A_326 = arith.constant 0 : i32
    %dma_start3A_327 = arith.constant 0 : i32
    %dma_start3A_328 = tpu.memref_slice %arg13[%dma_start3A_326, %dma_start3A_327] : memref<10048x16xf32, #tpu.memory_space<vmem_shared>> -> memref<10048x16xf32, #tpu.memory_space<vmem_shared>>
    tpu.enqueue_indirect_dma source(%arg11 : memref<128x16xf32, #tpu.memory_space<vmem>>) target(%dma_start3A_328 : memref<10048x16xf32, #tpu.memory_space<vmem_shared>>) offsets(%dma_start3A_325 : memref<128xi32, #tpu.memory_space<vmem>>) semaphore(%arg21 : memref<!tpu.dma_semaphore, #tpu.memory_space<semaphore_mem>>) {add = true}
    %scan3A = arith.constant 0 : i32
    %scan3A_329 = arith.constant 3 : i32
    %scan3A_330 = arith.constant 17 : i32
    %scan3A_331 = arith.addi %scan3A_329, %scan3A_330 : i32
    %scan3A_332 = arith.constant 1 : i32
    scf.for %scan3A_361 = %scan3A_329 to %scan3A_331 step %scan3A_332  : i32 {
      %mul3A_362 = arith.constant 4 : i32
      %mul3A_363 = arith.muli %scan3A_361, %mul3A_362 : i32
      %add3A_364 = arith.constant 0 : i32
      %add3A_365 = arith.addi %mul3A_363, %add3A_364 : i32
      %dma_wait3A_366 = arith.constant 0 : i32
      %dma_wait3A_367 = arith.constant 0 : i32
      %dma_wait3A_368 = tpu.memref_slice %arg7[%dma_wait3A_366, %dma_wait3A_367] : memref<80x128xi32, #tpu.memory_space<vmem>> -> memref<1x128xi32, #tpu.memory_space<vmem>>
      %dma_wait3A_369 = tpu.memref_squeeze %dma_wait3A_368 : memref<1x128xi32, #tpu.memory_space<vmem>> -> memref<128xi32, #tpu.memory_space<vmem>>
      %dma_wait3A_370 = arith.constant 0 : i32
      %dma_wait3A_371 = arith.constant 0 : i32
      %dma_wait3A_372 = tpu.memref_slice %arg13[%dma_wait3A_370, %dma_wait3A_371] : memref<10048x16xf32, #tpu.memory_space<vmem_shared>> -> memref<10048x16xf32, #tpu.memory_space<vmem_shared>>
      tpu.wait_indirect_dma semaphore(%arg19 : memref<!tpu.dma_semaphore, #tpu.memory_space<semaphore_mem>>) src(%arg9 : memref<128x16xf32, #tpu.memory_space<vmem>>) dst(%dma_wait3A_372 : memref<10048x16xf32, #tpu.memory_space<vmem_shared>>)
      %add3A_373 = arith.constant 1 : i32
      %add3A_374 = arith.addi %add3A_365, %add3A_373 : i32
      %lt3A = arith.constant 80 : i32
      %lt3A_375 = arith.cmpi slt, %add3A_374, %lt3A : i32
      %convert_element_type3A_376 = arith.extui %lt3A_375 : i1 to i32
      %cond3A_377 = arith.constant 0 : i32
      %cond3A_378 = arith.cmpi ne, %convert_element_type3A_376, %cond3A_377 : i32
      scf.if %cond3A_378 {
        %add3A_485 = arith.constant 1 : i32
        %add3A_486 = arith.addi %add3A_365, %add3A_485 : i32
        %dma_start3A_487 = arith.constant 0 : i32
        %dma_start3A_488 = tpu.memref_slice %arg6[%add3A_486, %dma_start3A_487] : memref<80x128xi32, #tpu.memory_space<vmem>> -> memref<1x128xi32, #tpu.memory_space<vmem>>
        %dma_start3A_489 = tpu.memref_squeeze %dma_start3A_488 : memref<1x128xi32, #tpu.memory_space<vmem>> -> memref<128xi32, #tpu.memory_space<vmem>>
        %dma_start3A_490 = arith.constant 0 : i32
        %dma_start3A_491 = arith.constant 0 : i32
        %dma_start3A_492 = tpu.memref_slice %arg12[%dma_start3A_490, %dma_start3A_491] : memref<10048x16xf32, #tpu.memory_space<vmem_shared>> -> memref<10048x16xf32, #tpu.memory_space<vmem_shared>>
        tpu.enqueue_indirect_dma source(%dma_start3A_492 : memref<10048x16xf32, #tpu.memory_space<vmem_shared>>) target(%arg9 : memref<128x16xf32, #tpu.memory_space<vmem>>) offsets(%dma_start3A_489 : memref<128xi32, #tpu.memory_space<vmem>>) semaphore(%arg15 : memref<!tpu.dma_semaphore, #tpu.memory_space<semaphore_mem>>)
      } else {
      }
      %dma_wait3A_379 = arith.constant 0 : i32
      %dma_wait3A_380 = arith.constant 0 : i32
      %dma_wait3A_381 = tpu.memref_slice %arg6[%dma_wait3A_379, %dma_wait3A_380] : memref<80x128xi32, #tpu.memory_space<vmem>> -> memref<1x128xi32, #tpu.memory_space<vmem>>
      %dma_wait3A_382 = tpu.memref_squeeze %dma_wait3A_381 : memref<1x128xi32, #tpu.memory_space<vmem>> -> memref<128xi32, #tpu.memory_space<vmem>>
      %dma_wait3A_383 = arith.constant 0 : i32
      %dma_wait3A_384 = arith.constant 0 : i32
      %dma_wait3A_385 = tpu.memref_slice %arg12[%dma_wait3A_383, %dma_wait3A_384] : memref<10048x16xf32, #tpu.memory_space<vmem_shared>> -> memref<10048x16xf32, #tpu.memory_space<vmem_shared>>
      tpu.wait_indirect_dma semaphore(%arg14 : memref<!tpu.dma_semaphore, #tpu.memory_space<semaphore_mem>>) src(%dma_wait3A_385 : memref<10048x16xf32, #tpu.memory_space<vmem_shared>>) dst(%arg8 : memref<128x16xf32, #tpu.memory_space<vmem>>)
      %dma_start3A_386 = arith.constant 0 : i32
      %dma_start3A_387 = tpu.memref_slice %arg7[%add3A_365, %dma_start3A_386] : memref<80x128xi32, #tpu.memory_space<vmem>> -> memref<1x128xi32, #tpu.memory_space<vmem>>
      %dma_start3A_388 = tpu.memref_squeeze %dma_start3A_387 : memref<1x128xi32, #tpu.memory_space<vmem>> -> memref<128xi32, #tpu.memory_space<vmem>>
      %dma_start3A_389 = arith.constant 0 : i32
      %dma_start3A_390 = arith.constant 0 : i32
      %dma_start3A_391 = tpu.memref_slice %arg13[%dma_start3A_389, %dma_start3A_390] : memref<10048x16xf32, #tpu.memory_space<vmem_shared>> -> memref<10048x16xf32, #tpu.memory_space<vmem_shared>>
      tpu.enqueue_indirect_dma source(%arg8 : memref<128x16xf32, #tpu.memory_space<vmem>>) target(%dma_start3A_391 : memref<10048x16xf32, #tpu.memory_space<vmem_shared>>) offsets(%dma_start3A_388 : memref<128xi32, #tpu.memory_space<vmem>>) semaphore(%arg18 : memref<!tpu.dma_semaphore, #tpu.memory_space<semaphore_mem>>) {add = true}
      %mul3A_392 = arith.constant 4 : i32
      %mul3A_393 = arith.muli %scan3A_361, %mul3A_392 : i32
      %add3A_394 = arith.constant 1 : i32
      %add3A_395 = arith.addi %mul3A_393, %add3A_394 : i32
      %dma_wait3A_396 = arith.constant 0 : i32
      %dma_wait3A_397 = arith.constant 0 : i32
      %dma_wait3A_398 = tpu.memref_slice %arg7[%dma_wait3A_396, %dma_wait3A_397] : memref<80x128xi32, #tpu.memory_space<vmem>> -> memref<1x128xi32, #tpu.memory_space<vmem>>
      %dma_wait3A_399 = tpu.memref_squeeze %dma_wait3A_398 : memref<1x128xi32, #tpu.memory_space<vmem>> -> memref<128xi32, #tpu.memory_space<vmem>>
      %dma_wait3A_400 = arith.constant 0 : i32
      %dma_wait3A_401 = arith.constant 0 : i32
      %dma_wait3A_402 = tpu.memref_slice %arg13[%dma_wait3A_400, %dma_wait3A_401] : memref<10048x16xf32, #tpu.memory_space<vmem_shared>> -> memref<10048x16xf32, #tpu.memory_space<vmem_shared>>
      tpu.wait_indirect_dma semaphore(%arg20 : memref<!tpu.dma_semaphore, #tpu.memory_space<semaphore_mem>>) src(%arg10 : memref<128x16xf32, #tpu.memory_space<vmem>>) dst(%dma_wait3A_402 : memref<10048x16xf32, #tpu.memory_space<vmem_shared>>)
      %add3A_403 = arith.constant 1 : i32
      %add3A_404 = arith.addi %add3A_395, %add3A_403 : i32
      %lt3A_405 = arith.constant 80 : i32
      %lt3A_406 = arith.cmpi slt, %add3A_404, %lt3A_405 : i32
      %convert_element_type3A_407 = arith.extui %lt3A_406 : i1 to i32
      %cond3A_408 = arith.constant 0 : i32
      %cond3A_409 = arith.cmpi ne, %convert_element_type3A_407, %cond3A_408 : i32
      scf.if %cond3A_409 {
        %add3A_485 = arith.constant 1 : i32
        %add3A_486 = arith.addi %add3A_395, %add3A_485 : i32
        %dma_start3A_487 = arith.constant 0 : i32
        %dma_start3A_488 = tpu.memref_slice %arg6[%add3A_486, %dma_start3A_487] : memref<80x128xi32, #tpu.memory_space<vmem>> -> memref<1x128xi32, #tpu.memory_space<vmem>>
        %dma_start3A_489 = tpu.memref_squeeze %dma_start3A_488 : memref<1x128xi32, #tpu.memory_space<vmem>> -> memref<128xi32, #tpu.memory_space<vmem>>
        %dma_start3A_490 = arith.constant 0 : i32
        %dma_start3A_491 = arith.constant 0 : i32
        %dma_start3A_492 = tpu.memref_slice %arg12[%dma_start3A_490, %dma_start3A_491] : memref<10048x16xf32, #tpu.memory_space<vmem_shared>> -> memref<10048x16xf32, #tpu.memory_space<vmem_shared>>
        tpu.enqueue_indirect_dma source(%dma_start3A_492 : memref<10048x16xf32, #tpu.memory_space<vmem_shared>>) target(%arg10 : memref<128x16xf32, #tpu.memory_space<vmem>>) offsets(%dma_start3A_489 : memref<128xi32, #tpu.memory_space<vmem>>) semaphore(%arg16 : memref<!tpu.dma_semaphore, #tpu.memory_space<semaphore_mem>>)
      } else {
      }
      %dma_wait3A_410 = arith.constant 0 : i32
      %dma_wait3A_411 = arith.constant 0 : i32
      %dma_wait3A_412 = tpu.memref_slice %arg6[%dma_wait3A_410, %dma_wait3A_411] : memref<80x128xi32, #tpu.memory_space<vmem>> -> memref<1x128xi32, #tpu.memory_space<vmem>>
      %dma_wait3A_413 = tpu.memref_squeeze %dma_wait3A_412 : memref<1x128xi32, #tpu.memory_space<vmem>> -> memref<128xi32, #tpu.memory_space<vmem>>
      %dma_wait3A_414 = arith.constant 0 : i32
      %dma_wait3A_415 = arith.constant 0 : i32
      %dma_wait3A_416 = tpu.memref_slice %arg12[%dma_wait3A_414, %dma_wait3A_415] : memref<10048x16xf32, #tpu.memory_space<vmem_shared>> -> memref<10048x16xf32, #tpu.memory_space<vmem_shared>>
      tpu.wait_indirect_dma semaphore(%arg15 : memref<!tpu.dma_semaphore, #tpu.memory_space<semaphore_mem>>) src(%dma_wait3A_416 : memref<10048x16xf32, #tpu.memory_space<vmem_shared>>) dst(%arg9 : memref<128x16xf32, #tpu.memory_space<vmem>>)
      %dma_start3A_417 = arith.constant 0 : i32
      %dma_start3A_418 = tpu.memref_slice %arg7[%add3A_395, %dma_start3A_417] : memref<80x128xi32, #tpu.memory_space<vmem>> -> memref<1x128xi32, #tpu.memory_space<vmem>>
      %dma_start3A_419 = tpu.memref_squeeze %dma_start3A_418 : memref<1x128xi32, #tpu.memory_space<vmem>> -> memref<128xi32, #tpu.memory_space<vmem>>
      %dma_start3A_420 = arith.constant 0 : i32
      %dma_start3A_421 = arith.constant 0 : i32
      %dma_start3A_422 = tpu.memref_slice %arg13[%dma_start3A_420, %dma_start3A_421] : memref<10048x16xf32, #tpu.memory_space<vmem_shared>> -> memref<10048x16xf32, #tpu.memory_space<vmem_shared>>
      tpu.enqueue_indirect_dma source(%arg9 : memref<128x16xf32, #tpu.memory_space<vmem>>) target(%dma_start3A_422 : memref<10048x16xf32, #tpu.memory_space<vmem_shared>>) offsets(%dma_start3A_419 : memref<128xi32, #tpu.memory_space<vmem>>) semaphore(%arg19 : memref<!tpu.dma_semaphore, #tpu.memory_space<semaphore_mem>>) {add = true}
      %mul3A_423 = arith.constant 4 : i32
      %mul3A_424 = arith.muli %scan3A_361, %mul3A_423 : i32
      %add3A_425 = arith.constant 2 : i32
      %add3A_426 = arith.addi %mul3A_424, %add3A_425 : i32
      %dma_wait3A_427 = arith.constant 0 : i32
      %dma_wait3A_428 = arith.constant 0 : i32
      %dma_wait3A_429 = tpu.memref_slice %arg7[%dma_wait3A_427, %dma_wait3A_428] : memref<80x128xi32, #tpu.memory_space<vmem>> -> memref<1x128xi32, #tpu.memory_space<vmem>>
      %dma_wait3A_430 = tpu.memref_squeeze %dma_wait3A_429 : memref<1x128xi32, #tpu.memory_space<vmem>> -> memref<128xi32, #tpu.memory_space<vmem>>
      %dma_wait3A_431 = arith.constant 0 : i32
      %dma_wait3A_432 = arith.constant 0 : i32
      %dma_wait3A_433 = tpu.memref_slice %arg13[%dma_wait3A_431, %dma_wait3A_432] : memref<10048x16xf32, #tpu.memory_space<vmem_shared>> -> memref<10048x16xf32, #tpu.memory_space<vmem_shared>>
      tpu.wait_indirect_dma semaphore(%arg21 : memref<!tpu.dma_semaphore, #tpu.memory_space<semaphore_mem>>) src(%arg11 : memref<128x16xf32, #tpu.memory_space<vmem>>) dst(%dma_wait3A_433 : memref<10048x16xf32, #tpu.memory_space<vmem_shared>>)
      %add3A_434 = arith.constant 1 : i32
      %add3A_435 = arith.addi %add3A_426, %add3A_434 : i32
      %lt3A_436 = arith.constant 80 : i32
      %lt3A_437 = arith.cmpi slt, %add3A_435, %lt3A_436 : i32
      %convert_element_type3A_438 = arith.extui %lt3A_437 : i1 to i32
      %cond3A_439 = arith.constant 0 : i32
      %cond3A_440 = arith.cmpi ne, %convert_element_type3A_438, %cond3A_439 : i32
      scf.if %cond3A_440 {
        %add3A_485 = arith.constant 1 : i32
        %add3A_486 = arith.addi %add3A_426, %add3A_485 : i32
        %dma_start3A_487 = arith.constant 0 : i32
        %dma_start3A_488 = tpu.memref_slice %arg6[%add3A_486, %dma_start3A_487] : memref<80x128xi32, #tpu.memory_space<vmem>> -> memref<1x128xi32, #tpu.memory_space<vmem>>
        %dma_start3A_489 = tpu.memref_squeeze %dma_start3A_488 : memref<1x128xi32, #tpu.memory_space<vmem>> -> memref<128xi32, #tpu.memory_space<vmem>>
        %dma_start3A_490 = arith.constant 0 : i32
        %dma_start3A_491 = arith.constant 0 : i32
        %dma_start3A_492 = tpu.memref_slice %arg12[%dma_start3A_490, %dma_start3A_491] : memref<10048x16xf32, #tpu.memory_space<vmem_shared>> -> memref<10048x16xf32, #tpu.memory_space<vmem_shared>>
        tpu.enqueue_indirect_dma source(%dma_start3A_492 : memref<10048x16xf32, #tpu.memory_space<vmem_shared>>) target(%arg11 : memref<128x16xf32, #tpu.memory_space<vmem>>) offsets(%dma_start3A_489 : memref<128xi32, #tpu.memory_space<vmem>>) semaphore(%arg17 : memref<!tpu.dma_semaphore, #tpu.memory_space<semaphore_mem>>)
      } else {
      }
      %dma_wait3A_441 = arith.constant 0 : i32
      %dma_wait3A_442 = arith.constant 0 : i32
      %dma_wait3A_443 = tpu.memref_slice %arg6[%dma_wait3A_441, %dma_wait3A_442] : memref<80x128xi32, #tpu.memory_space<vmem>> -> memref<1x128xi32, #tpu.memory_space<vmem>>
      %dma_wait3A_444 = tpu.memref_squeeze %dma_wait3A_443 : memref<1x128xi32, #tpu.memory_space<vmem>> -> memref<128xi32, #tpu.memory_space<vmem>>
      %dma_wait3A_445 = arith.constant 0 : i32
      %dma_wait3A_446 = arith.constant 0 : i32
      %dma_wait3A_447 = tpu.memref_slice %arg12[%dma_wait3A_445, %dma_wait3A_446] : memref<10048x16xf32, #tpu.memory_space<vmem_shared>> -> memref<10048x16xf32, #tpu.memory_space<vmem_shared>>
      tpu.wait_indirect_dma semaphore(%arg16 : memref<!tpu.dma_semaphore, #tpu.memory_space<semaphore_mem>>) src(%dma_wait3A_447 : memref<10048x16xf32, #tpu.memory_space<vmem_shared>>) dst(%arg10 : memref<128x16xf32, #tpu.memory_space<vmem>>)
      %dma_start3A_448 = arith.constant 0 : i32
      %dma_start3A_449 = tpu.memref_slice %arg7[%add3A_426, %dma_start3A_448] : memref<80x128xi32, #tpu.memory_space<vmem>> -> memref<1x128xi32, #tpu.memory_space<vmem>>
      %dma_start3A_450 = tpu.memref_squeeze %dma_start3A_449 : memref<1x128xi32, #tpu.memory_space<vmem>> -> memref<128xi32, #tpu.memory_space<vmem>>
      %dma_start3A_451 = arith.constant 0 : i32
      %dma_start3A_452 = arith.constant 0 : i32
      %dma_start3A_453 = tpu.memref_slice %arg13[%dma_start3A_451, %dma_start3A_452] : memref<10048x16xf32, #tpu.memory_space<vmem_shared>> -> memref<10048x16xf32, #tpu.memory_space<vmem_shared>>
      tpu.enqueue_indirect_dma source(%arg10 : memref<128x16xf32, #tpu.memory_space<vmem>>) target(%dma_start3A_453 : memref<10048x16xf32, #tpu.memory_space<vmem_shared>>) offsets(%dma_start3A_450 : memref<128xi32, #tpu.memory_space<vmem>>) semaphore(%arg20 : memref<!tpu.dma_semaphore, #tpu.memory_space<semaphore_mem>>) {add = true}
      %mul3A_454 = arith.constant 4 : i32
      %mul3A_455 = arith.muli %scan3A_361, %mul3A_454 : i32
      %add3A_456 = arith.constant 3 : i32
      %add3A_457 = arith.addi %mul3A_455, %add3A_456 : i32
      %dma_wait3A_458 = arith.constant 0 : i32
      %dma_wait3A_459 = arith.constant 0 : i32
      %dma_wait3A_460 = tpu.memref_slice %arg7[%dma_wait3A_458, %dma_wait3A_459] : memref<80x128xi32, #tpu.memory_space<vmem>> -> memref<1x128xi32, #tpu.memory_space<vmem>>
      %dma_wait3A_461 = tpu.memref_squeeze %dma_wait3A_460 : memref<1x128xi32, #tpu.memory_space<vmem>> -> memref<128xi32, #tpu.memory_space<vmem>>
      %dma_wait3A_462 = arith.constant 0 : i32
      %dma_wait3A_463 = arith.constant 0 : i32
      %dma_wait3A_464 = tpu.memref_slice %arg13[%dma_wait3A_462, %dma_wait3A_463] : memref<10048x16xf32, #tpu.memory_space<vmem_shared>> -> memref<10048x16xf32, #tpu.memory_space<vmem_shared>>
      tpu.wait_indirect_dma semaphore(%arg18 : memref<!tpu.dma_semaphore, #tpu.memory_space<semaphore_mem>>) src(%arg8 : memref<128x16xf32, #tpu.memory_space<vmem>>) dst(%dma_wait3A_464 : memref<10048x16xf32, #tpu.memory_space<vmem_shared>>)
      %add3A_465 = arith.constant 1 : i32
      %add3A_466 = arith.addi %add3A_457, %add3A_465 : i32
      %lt3A_467 = arith.constant 80 : i32
      %lt3A_468 = arith.cmpi slt, %add3A_466, %lt3A_467 : i32
      %convert_element_type3A_469 = arith.extui %lt3A_468 : i1 to i32
      %cond3A_470 = arith.constant 0 : i32
      %cond3A_471 = arith.cmpi ne, %convert_element_type3A_469, %cond3A_470 : i32
      scf.if %cond3A_471 {
        %add3A_485 = arith.constant 1 : i32
        %add3A_486 = arith.addi %add3A_457, %add3A_485 : i32
        %dma_start3A_487 = arith.constant 0 : i32
        %dma_start3A_488 = tpu.memref_slice %arg6[%add3A_486, %dma_start3A_487] : memref<80x128xi32, #tpu.memory_space<vmem>> -> memref<1x128xi32, #tpu.memory_space<vmem>>
        %dma_start3A_489 = tpu.memref_squeeze %dma_start3A_488 : memref<1x128xi32, #tpu.memory_space<vmem>> -> memref<128xi32, #tpu.memory_space<vmem>>
        %dma_start3A_490 = arith.constant 0 : i32
        %dma_start3A_491 = arith.constant 0 : i32
        %dma_start3A_492 = tpu.memref_slice %arg12[%dma_start3A_490, %dma_start3A_491] : memref<10048x16xf32, #tpu.memory_space<vmem_shared>> -> memref<10048x16xf32, #tpu.memory_space<vmem_shared>>
        tpu.enqueue_indirect_dma source(%dma_start3A_492 : memref<10048x16xf32, #tpu.memory_space<vmem_shared>>) target(%arg8 : memref<128x16xf32, #tpu.memory_space<vmem>>) offsets(%dma_start3A_489 : memref<128xi32, #tpu.memory_space<vmem>>) semaphore(%arg14 : memref<!tpu.dma_semaphore, #tpu.memory_space<semaphore_mem>>)
      } else {
      }
      %dma_wait3A_472 = arith.constant 0 : i32
      %dma_wait3A_473 = arith.constant 0 : i32
      %dma_wait3A_474 = tpu.memref_slice %arg6[%dma_wait3A_472, %dma_wait3A_473] : memref<80x128xi32, #tpu.memory_space<vmem>> -> memref<1x128xi32, #tpu.memory_space<vmem>>
      %dma_wait3A_475 = tpu.memref_squeeze %dma_wait3A_474 : memref<1x128xi32, #tpu.memory_space<vmem>> -> memref<128xi32, #tpu.memory_space<vmem>>
      %dma_wait3A_476 = arith.constant 0 : i32
      %dma_wait3A_477 = arith.constant 0 : i32
      %dma_wait3A_478 = tpu.memref_slice %arg12[%dma_wait3A_476, %dma_wait3A_477] : memref<10048x16xf32, #tpu.memory_space<vmem_shared>> -> memref<10048x16xf32, #tpu.memory_space<vmem_shared>>
      tpu.wait_indirect_dma semaphore(%arg17 : memref<!tpu.dma_semaphore, #tpu.memory_space<semaphore_mem>>) src(%dma_wait3A_478 : memref<10048x16xf32, #tpu.memory_space<vmem_shared>>) dst(%arg11 : memref<128x16xf32, #tpu.memory_space<vmem>>)
      %dma_start3A_479 = arith.constant 0 : i32
      %dma_start3A_480 = tpu.memref_slice %arg7[%add3A_457, %dma_start3A_479] : memref<80x128xi32, #tpu.memory_space<vmem>> -> memref<1x128xi32, #tpu.memory_space<vmem>>
      %dma_start3A_481 = tpu.memref_squeeze %dma_start3A_480 : memref<1x128xi32, #tpu.memory_space<vmem>> -> memref<128xi32, #tpu.memory_space<vmem>>
      %dma_start3A_482 = arith.constant 0 : i32
      %dma_start3A_483 = arith.constant 0 : i32
      %dma_start3A_484 = tpu.memref_slice %arg13[%dma_start3A_482, %dma_start3A_483] : memref<10048x16xf32, #tpu.memory_space<vmem_shared>> -> memref<10048x16xf32, #tpu.memory_space<vmem_shared>>
      tpu.enqueue_indirect_dma source(%arg11 : memref<128x16xf32, #tpu.memory_space<vmem>>) target(%dma_start3A_484 : memref<10048x16xf32, #tpu.memory_space<vmem_shared>>) offsets(%dma_start3A_481 : memref<128xi32, #tpu.memory_space<vmem>>) semaphore(%arg21 : memref<!tpu.dma_semaphore, #tpu.memory_space<semaphore_mem>>) {add = true}
    }
    %scan3A_333 = arith.constant 17 : i32
    %dma_wait3A_334 = arith.constant 0 : i32
    %dma_wait3A_335 = arith.constant 0 : i32
    %dma_wait3A_336 = tpu.memref_slice %arg7[%dma_wait3A_334, %dma_wait3A_335] : memref<80x128xi32, #tpu.memory_space<vmem>> -> memref<1x128xi32, #tpu.memory_space<vmem>>
    %dma_wait3A_337 = tpu.memref_squeeze %dma_wait3A_336 : memref<1x128xi32, #tpu.memory_space<vmem>> -> memref<128xi32, #tpu.memory_space<vmem>>
    %dma_wait3A_338 = arith.constant 0 : i32
    %dma_wait3A_339 = arith.constant 0 : i32
    %dma_wait3A_340 = tpu.memref_slice %arg13[%dma_wait3A_338, %dma_wait3A_339] : memref<10048x16xf32, #tpu.memory_space<vmem_shared>> -> memref<10048x16xf32, #tpu.memory_space<vmem_shared>>
    tpu.wait_indirect_dma semaphore(%arg19 : memref<!tpu.dma_semaphore, #tpu.memory_space<semaphore_mem>>) src(%arg9 : memref<128x16xf32, #tpu.memory_space<vmem>>) dst(%dma_wait3A_340 : memref<10048x16xf32, #tpu.memory_space<vmem_shared>>)
    %dma_wait3A_341 = arith.constant 0 : i32
    %dma_wait3A_342 = arith.constant 0 : i32
    %dma_wait3A_343 = tpu.memref_slice %arg7[%dma_wait3A_341, %dma_wait3A_342] : memref<80x128xi32, #tpu.memory_space<vmem>> -> memref<1x128xi32, #tpu.memory_space<vmem>>
    %dma_wait3A_344 = tpu.memref_squeeze %dma_wait3A_343 : memref<1x128xi32, #tpu.memory_space<vmem>> -> memref<128xi32, #tpu.memory_space<vmem>>
    %dma_wait3A_345 = arith.constant 0 : i32
    %dma_wait3A_346 = arith.constant 0 : i32
    %dma_wait3A_347 = tpu.memref_slice %arg13[%dma_wait3A_345, %dma_wait3A_346] : memref<10048x16xf32, #tpu.memory_space<vmem_shared>> -> memref<10048x16xf32, #tpu.memory_space<vmem_shared>>
    tpu.wait_indirect_dma semaphore(%arg20 : memref<!tpu.dma_semaphore, #tpu.memory_space<semaphore_mem>>) src(%arg10 : memref<128x16xf32, #tpu.memory_space<vmem>>) dst(%dma_wait3A_347 : memref<10048x16xf32, #tpu.memory_space<vmem_shared>>)
    %dma_wait3A_348 = arith.constant 0 : i32
    %dma_wait3A_349 = arith.constant 0 : i32
    %dma_wait3A_350 = tpu.memref_slice %arg7[%dma_wait3A_348, %dma_wait3A_349] : memref<80x128xi32, #tpu.memory_space<vmem>> -> memref<1x128xi32, #tpu.memory_space<vmem>>
    %dma_wait3A_351 = tpu.memref_squeeze %dma_wait3A_350 : memref<1x128xi32, #tpu.memory_space<vmem>> -> memref<128xi32, #tpu.memory_space<vmem>>
    %dma_wait3A_352 = arith.constant 0 : i32
    %dma_wait3A_353 = arith.constant 0 : i32
    %dma_wait3A_354 = tpu.memref_slice %arg13[%dma_wait3A_352, %dma_wait3A_353] : memref<10048x16xf32, #tpu.memory_space<vmem_shared>> -> memref<10048x16xf32, #tpu.memory_space<vmem_shared>>
    tpu.wait_indirect_dma semaphore(%arg21 : memref<!tpu.dma_semaphore, #tpu.memory_space<semaphore_mem>>) src(%arg11 : memref<128x16xf32, #tpu.memory_space<vmem>>) dst(%dma_wait3A_354 : memref<10048x16xf32, #tpu.memory_space<vmem_shared>>)
    %barrier3A_355 = arith.constant 0 : index
    tpu.barrier barrier_id(%barrier3A_355)
    %eq3A_356 = arith.constant 0 : i32
    %eq3A_357 = arith.cmpi eq, %arg1, %eq3A_356 : i32
    %convert_element_type3A_358 = arith.extui %eq3A_357 : i1 to i32
    %cond3A_359 = arith.constant 0 : i32
    %cond3A_360 = arith.cmpi ne, %convert_element_type3A_358, %cond3A_359 : i32
    scf.if %cond3A_360 {
      "tpu.region"() ({
        %run_scoped3A_361 = tpu.sem_alloc : memref<!tpu.dma_semaphore, #tpu.memory_space<semaphore_mem>>
        %dma_start3A_362 = arith.constant 0 : i32
        %dma_start3A_363 = arith.constant 0 : i32
        %dma_start3A_364 = tpu.memref_slice %arg5[%arg0, %dma_start3A_362, %dma_start3A_363] : memref<2x10048x16xf32, #tpu.memory_space<hbm>> -> memref<1x10048x16xf32, #tpu.memory_space<hbm>>
        %dma_start3A_365 = tpu.memref_squeeze %dma_start3A_364 : memref<1x10048x16xf32, #tpu.memory_space<hbm>> -> memref<10048x16xf32, #tpu.memory_space<hbm>>
        tpu.enqueue_dma source(%arg13 : memref<10048x16xf32, #tpu.memory_space<vmem_shared>>) target(%dma_start3A_365 : memref<10048x16xf32, #tpu.memory_space<hbm>>) target_semaphore(%run_scoped3A_361 : memref<!tpu.dma_semaphore, #tpu.memory_space<semaphore_mem>>)
        %dma_wait3A_366 = arith.constant 0 : i32
        %dma_wait3A_367 = arith.constant 0 : i32
        %dma_wait3A_368 = tpu.memref_slice %arg5[%arg0, %dma_wait3A_366, %dma_wait3A_367] : memref<2x10048x16xf32, #tpu.memory_space<hbm>> -> memref<1x10048x16xf32, #tpu.memory_space<hbm>>
        %dma_wait3A_369 = tpu.memref_squeeze %dma_wait3A_368 : memref<1x10048x16xf32, #tpu.memory_space<hbm>> -> memref<10048x16xf32, #tpu.memory_space<hbm>>
        tpu.wait_dma2 semaphore(%run_scoped3A_361 : memref<!tpu.dma_semaphore, #tpu.memory_space<semaphore_mem>>) src(%arg13 : memref<10048x16xf32, #tpu.memory_space<vmem_shared>>) dst(%dma_wait3A_369 : memref<10048x16xf32, #tpu.memory_space<hbm>>)
        tpu.yield
      }) : () -> ()
    } else {
    }
    return
  }
}

#map = affine_map<(d0, d1) -> (0, 0, 0, 0)>
#map1 = affine_map<(d0, d1) -> (0, 0)>
#map2 = affine_map<(d0, d1) -> (0, 0, 0)>
module attributes {stable_mosaic.version = 14 : i64} {
  func.func @_sc_deg(%arg0: i32, %arg1: i32, %arg2: memref<2x32x80x128xi32, #tpu.memory_space<hbm>>, %arg3: memref<10048x16xf32, #tpu.memory_space<hbm>>, %arg4: memref<128x16xf32, #tpu.memory_space<hbm>>, %arg5: memref<2x10048x16xf32, #tpu.memory_space<hbm>>, %arg6: memref<80x128xi32, #tpu.memory_space<vmem>>, %arg7: memref<128x16xf32, #tpu.memory_space<vmem>>, %arg8: memref<10048x16xf32, #tpu.memory_space<vmem_shared>>, %arg9: memref<!tpu.dma_semaphore, #tpu.memory_space<semaphore_mem>>) attributes {dimension_semantics = [#tpu.dimension_semantics<core_parallel>, #tpu.dimension_semantics<subcore_parallel>], iteration_bounds = array<i64: 2, 16>, scalar_prefetch = 0 : i64, scratch_operands = 4 : i64, tpu.core_type = #tpu.core_type<sc_vector_subcore>, window_params = [{transform_indices = #map}, {transform_indices = #map1}, {transform_indices = #map1}, {transform_indices = #map2}]} {
    %mul3A = arith.constant 2 : i32
    %mul3A_0 = arith.muli %arg1, %mul3A : i32
    %add3A = arith.addi %mul3A_0, %arg0 : i32
    %run_scoped3A = arith.constant 1 : i32
    "tpu.region"() ({
      %run_scoped3A_20 = tpu.sem_alloc : memref<!tpu.dma_semaphore, #tpu.memory_space<semaphore_mem>>
      %dma_start3A = arith.constant 0 : i32
      %dma_start3A_21 = arith.constant 0 : i32
      %dma_start3A_22 = tpu.memref_slice %arg2[%run_scoped3A, %add3A, %dma_start3A, %dma_start3A_21] : memref<2x32x80x128xi32, #tpu.memory_space<hbm>> -> memref<1x1x80x128xi32, #tpu.memory_space<hbm>>
      %dma_start3A_23 = tpu.memref_squeeze %dma_start3A_22 : memref<1x1x80x128xi32, #tpu.memory_space<hbm>> -> memref<80x128xi32, #tpu.memory_space<hbm>>
      %dma_start3A_24 = arith.constant 0 : i32
      %dma_start3A_25 = arith.constant 0 : i32
      %dma_start3A_26 = tpu.memref_slice %arg2[%run_scoped3A, %add3A, %dma_start3A_24, %dma_start3A_25] : memref<2x32x80x128xi32, #tpu.memory_space<hbm>> -> memref<1x1x80x128xi32, #tpu.memory_space<hbm>>
      %dma_start3A_27 = tpu.memref_squeeze %dma_start3A_26 : memref<1x1x80x128xi32, #tpu.memory_space<hbm>> -> memref<80x128xi32, #tpu.memory_space<hbm>>
      tpu.enqueue_dma source(%dma_start3A_27 : memref<80x128xi32, #tpu.memory_space<hbm>>) target(%arg6 : memref<80x128xi32, #tpu.memory_space<vmem>>) target_semaphore(%run_scoped3A_20 : memref<!tpu.dma_semaphore, #tpu.memory_space<semaphore_mem>>)
      %dma_wait3A = arith.constant 0 : i32
      %dma_wait3A_28 = arith.constant 0 : i32
      %dma_wait3A_29 = tpu.memref_slice %arg2[%run_scoped3A, %add3A, %dma_wait3A, %dma_wait3A_28] : memref<2x32x80x128xi32, #tpu.memory_space<hbm>> -> memref<1x1x80x128xi32, #tpu.memory_space<hbm>>
      %dma_wait3A_30 = tpu.memref_squeeze %dma_wait3A_29 : memref<1x1x80x128xi32, #tpu.memory_space<hbm>> -> memref<80x128xi32, #tpu.memory_space<hbm>>
      %dma_wait3A_31 = arith.constant 0 : i32
      %dma_wait3A_32 = arith.constant 0 : i32
      %dma_wait3A_33 = tpu.memref_slice %arg2[%run_scoped3A, %add3A, %dma_wait3A_31, %dma_wait3A_32] : memref<2x32x80x128xi32, #tpu.memory_space<hbm>> -> memref<1x1x80x128xi32, #tpu.memory_space<hbm>>
      %dma_wait3A_34 = tpu.memref_squeeze %dma_wait3A_33 : memref<1x1x80x128xi32, #tpu.memory_space<hbm>> -> memref<80x128xi32, #tpu.memory_space<hbm>>
      tpu.wait_dma2 semaphore(%run_scoped3A_20 : memref<!tpu.dma_semaphore, #tpu.memory_space<semaphore_mem>>) src(%dma_wait3A_34 : memref<80x128xi32, #tpu.memory_space<hbm>>) dst(%arg6 : memref<80x128xi32, #tpu.memory_space<vmem>>)
      tpu.yield
    }) : () -> ()
    "tpu.region"() ({
      %run_scoped3A_20 = tpu.sem_alloc : memref<!tpu.dma_semaphore, #tpu.memory_space<semaphore_mem>>
      tpu.enqueue_dma source(%arg4 : memref<128x16xf32, #tpu.memory_space<hbm>>) target(%arg7 : memref<128x16xf32, #tpu.memory_space<vmem>>) target_semaphore(%run_scoped3A_20 : memref<!tpu.dma_semaphore, #tpu.memory_space<semaphore_mem>>)
      tpu.wait_dma2 semaphore(%run_scoped3A_20 : memref<!tpu.dma_semaphore, #tpu.memory_space<semaphore_mem>>) src(%arg4 : memref<128x16xf32, #tpu.memory_space<hbm>>) dst(%arg7 : memref<128x16xf32, #tpu.memory_space<vmem>>)
      tpu.yield
    }) : () -> ()
    %eq3A = arith.constant 0 : i32
    %eq3A_1 = arith.cmpi eq, %arg1, %eq3A : i32
    %convert_element_type3A = arith.extui %eq3A_1 : i1 to i32
    %cond3A = arith.constant 0 : i32
    %cond3A_2 = arith.cmpi ne, %convert_element_type3A, %cond3A : i32
    scf.if %cond3A_2 {
      "tpu.region"() ({
        %run_scoped3A_20 = tpu.sem_alloc : memref<!tpu.dma_semaphore, #tpu.memory_space<semaphore_mem>>
        tpu.enqueue_dma source(%arg3 : memref<10048x16xf32, #tpu.memory_space<hbm>>) target(%arg8 : memref<10048x16xf32, #tpu.memory_space<vmem_shared>>) target_semaphore(%run_scoped3A_20 : memref<!tpu.dma_semaphore, #tpu.memory_space<semaphore_mem>>)
        tpu.wait_dma2 semaphore(%run_scoped3A_20 : memref<!tpu.dma_semaphore, #tpu.memory_space<semaphore_mem>>) src(%arg3 : memref<10048x16xf32, #tpu.memory_space<hbm>>) dst(%arg8 : memref<10048x16xf32, #tpu.memory_space<vmem_shared>>)
        tpu.yield
      }) : () -> ()
    } else {
    }
    %barrier3A = arith.constant 0 : index
    tpu.barrier barrier_id(%barrier3A)
    %scan3A = arith.constant 0 : i32
    %scan3A_3 = arith.constant 0 : i32
    %scan3A_4 = arith.constant 80 : i32
    %scan3A_5 = arith.addi %scan3A_3, %scan3A_4 : i32
    %scan3A_6 = arith.constant 1 : i32
    scf.for %scan3A_20 = %scan3A_3 to %scan3A_5 step %scan3A_6  : i32 {
      %dma_start3A = arith.constant 0 : i32
      %dma_start3A_21 = tpu.memref_slice %arg6[%scan3A_20, %dma_start3A] : memref<80x128xi32, #tpu.memory_space<vmem>> -> memref<1x128xi32, #tpu.memory_space<vmem>>
      %dma_start3A_22 = tpu.memref_squeeze %dma_start3A_21 : memref<1x128xi32, #tpu.memory_space<vmem>> -> memref<128xi32, #tpu.memory_space<vmem>>
      %dma_start3A_23 = arith.constant 0 : i32
      %dma_start3A_24 = arith.constant 0 : i32
      %dma_start3A_25 = tpu.memref_slice %arg8[%dma_start3A_23, %dma_start3A_24] : memref<10048x16xf32, #tpu.memory_space<vmem_shared>> -> memref<10048x16xf32, #tpu.memory_space<vmem_shared>>
      tpu.enqueue_indirect_dma source(%arg7 : memref<128x16xf32, #tpu.memory_space<vmem>>) target(%dma_start3A_25 : memref<10048x16xf32, #tpu.memory_space<vmem_shared>>) offsets(%dma_start3A_22 : memref<128xi32, #tpu.memory_space<vmem>>) semaphore(%arg9 : memref<!tpu.dma_semaphore, #tpu.memory_space<semaphore_mem>>) {add = true}
    }
    %scan3A_7 = arith.constant 80 : i32
    %scan3A_8 = arith.constant 0 : i32
    %scan3A_9 = arith.constant 0 : i32
    %scan3A_10 = arith.constant 80 : i32
    %scan3A_11 = arith.addi %scan3A_9, %scan3A_10 : i32
    %scan3A_12 = arith.constant 1 : i32
    scf.for %scan3A_20 = %scan3A_9 to %scan3A_11 step %scan3A_12  : i32 {
      %dma_wait3A = arith.constant 0 : i32
      %dma_wait3A_21 = arith.constant 0 : i32
      %dma_wait3A_22 = tpu.memref_slice %arg6[%dma_wait3A, %dma_wait3A_21] : memref<80x128xi32, #tpu.memory_space<vmem>> -> memref<1x128xi32, #tpu.memory_space<vmem>>
      %dma_wait3A_23 = tpu.memref_squeeze %dma_wait3A_22 : memref<1x128xi32, #tpu.memory_space<vmem>> -> memref<128xi32, #tpu.memory_space<vmem>>
      %dma_wait3A_24 = arith.constant 0 : i32
      %dma_wait3A_25 = arith.constant 0 : i32
      %dma_wait3A_26 = tpu.memref_slice %arg8[%dma_wait3A_24, %dma_wait3A_25] : memref<10048x16xf32, #tpu.memory_space<vmem_shared>> -> memref<10048x16xf32, #tpu.memory_space<vmem_shared>>
      tpu.wait_indirect_dma semaphore(%arg9 : memref<!tpu.dma_semaphore, #tpu.memory_space<semaphore_mem>>) src(%arg7 : memref<128x16xf32, #tpu.memory_space<vmem>>) dst(%dma_wait3A_26 : memref<10048x16xf32, #tpu.memory_space<vmem_shared>>)
    }
    %scan3A_13 = arith.constant 80 : i32
    %barrier3A_14 = arith.constant 0 : index
    tpu.barrier barrier_id(%barrier3A_14)
    %eq3A_15 = arith.constant 0 : i32
    %eq3A_16 = arith.cmpi eq, %arg1, %eq3A_15 : i32
    %convert_element_type3A_17 = arith.extui %eq3A_16 : i1 to i32
    %cond3A_18 = arith.constant 0 : i32
    %cond3A_19 = arith.cmpi ne, %convert_element_type3A_17, %cond3A_18 : i32
    scf.if %cond3A_19 {
      "tpu.region"() ({
        %run_scoped3A_20 = tpu.sem_alloc : memref<!tpu.dma_semaphore, #tpu.memory_space<semaphore_mem>>
        %dma_start3A = arith.constant 0 : i32
        %dma_start3A_21 = arith.constant 0 : i32
        %dma_start3A_22 = tpu.memref_slice %arg5[%arg0, %dma_start3A, %dma_start3A_21] : memref<2x10048x16xf32, #tpu.memory_space<hbm>> -> memref<1x10048x16xf32, #tpu.memory_space<hbm>>
        %dma_start3A_23 = tpu.memref_squeeze %dma_start3A_22 : memref<1x10048x16xf32, #tpu.memory_space<hbm>> -> memref<10048x16xf32, #tpu.memory_space<hbm>>
        tpu.enqueue_dma source(%arg8 : memref<10048x16xf32, #tpu.memory_space<vmem_shared>>) target(%dma_start3A_23 : memref<10048x16xf32, #tpu.memory_space<hbm>>) target_semaphore(%run_scoped3A_20 : memref<!tpu.dma_semaphore, #tpu.memory_space<semaphore_mem>>)
        %dma_wait3A = arith.constant 0 : i32
        %dma_wait3A_24 = arith.constant 0 : i32
        %dma_wait3A_25 = tpu.memref_slice %arg5[%arg0, %dma_wait3A, %dma_wait3A_24] : memref<2x10048x16xf32, #tpu.memory_space<hbm>> -> memref<1x10048x16xf32, #tpu.memory_space<hbm>>
        %dma_wait3A_26 = tpu.memref_squeeze %dma_wait3A_25 : memref<1x10048x16xf32, #tpu.memory_space<hbm>> -> memref<10048x16xf32, #tpu.memory_space<hbm>>
        tpu.wait_dma2 semaphore(%run_scoped3A_20 : memref<!tpu.dma_semaphore, #tpu.memory_space<semaphore_mem>>) src(%arg8 : memref<10048x16xf32, #tpu.memory_space<vmem_shared>>) dst(%dma_wait3A_26 : memref<10048x16xf32, #tpu.memory_space<hbm>>)
        tpu.yield
      }) : () -> ()
    } else {
    }
    return
  }
}

module attributes {stable_mosaic.version = 14 : i64} {
  func.func @_tc_repack_body(%arg0: memref<2x320000xi32, #tpu.memory_space<vmem>>, %arg1: memref<2x2560x128xi32, #tpu.memory_space<vmem>>) attributes {dimension_semantics = [], scalar_prefetch = 0 : i64, scratch_operands = 0 : i64, tpu.core_type = #tpu.core_type<tc>} {
    %get3A = arith.constant 0 : index
    %get3A_0 = arith.constant 0 : index
    %get3A_1 = vector.load %arg0[%get3A, %get3A_0] : memref<2x320000xi32, #tpu.memory_space<vmem>>, vector<2x320000xi32>
    %iota3A = tpu.iota {dimensions = array<i32: 1>} : vector<1x7680xi32>
    %broadcast_in_dim3A = arith.constant 0 : i32
    %broadcast_in_dim3A_2 = vector.broadcast %broadcast_in_dim3A : i32 to vector<1x7680xi32>
    %jit3A = arith.constant 48 : i32
    %eq3A = arith.constant 0 : i32
    %eq3A_3 = arith.cmpi eq, %jit3A, %eq3A : i32
    %jit3A_4 = arith.constant 1 : i32
    %select_n3A = arith.select %eq3A_3, %jit3A_4, %jit3A : i32
    %rem3A = vector.broadcast %select_n3A : i32 to vector<1x7680xi32>
    %rem3A_5 = arith.remsi %iota3A, %rem3A : vector<1x7680xi32>
    %ne3A = arith.constant 0 : i32
    %ne3A_6 = vector.broadcast %ne3A : i32 to vector<1x7680xi32>
    %ne3A_7 = arith.cmpi ne, %rem3A_5, %ne3A_6 : vector<1x7680xi32>
    %lt3A = arith.constant 0 : i32
    %lt3A_8 = vector.broadcast %lt3A : i32 to vector<1x7680xi32>
    %lt3A_9 = arith.cmpi slt, %rem3A_5, %lt3A_8 : vector<1x7680xi32>
    %lt3A_10 = arith.constant 0 : i32
    %lt3A_11 = arith.cmpi slt, %select_n3A, %lt3A_10 : i32
    %ne3A_12 = vector.broadcast %lt3A_11 : i1 to vector<1x7680xi1>
    %ne3A_13 = vector.broadcast %ne3A_12 : vector<1x7680xi1> to vector<1x7680xi1>
    %ne3A_14 = arith.xori %lt3A_9, %ne3A_13 : vector<1x7680xi1>
    %and3A = arith.andi %ne3A_14, %ne3A_7 : vector<1x7680xi1>
    %add3A = vector.broadcast %select_n3A : i32 to vector<1x7680xi32>
    %add3A_15 = arith.addi %rem3A_5, %add3A : vector<1x7680xi32>
    %select_n3A_16 = arith.select %and3A, %add3A_15, %rem3A_5 : vector<1x7680xi1>, vector<1x7680xi32>
    %add3A_17 = arith.constant 10000 : i32
    %add3A_18 = vector.broadcast %add3A_17 : i32 to vector<1x7680xi32>
    %add3A_19 = arith.addi %add3A_18, %select_n3A_16 : vector<1x7680xi32>
    %concatenate3A = tpu.concatenate %broadcast_in_dim3A_2, %add3A_19 in 0 : vector<1x7680xi32>, vector<1x7680xi32> -> vector<2x7680xi32>
    %concatenate3A_20 = tpu.concatenate %get3A_1, %concatenate3A in 1 : vector<2x320000xi32>, vector<2x7680xi32> -> vector<2x327680xi32>
    %reshape3A = vector.shape_cast %concatenate3A_20 : vector<2x327680xi32> to vector<2x2560x128xi32>
    %swap3A = arith.constant 0 : index
    %swap3A_21 = arith.constant 0 : index
    %swap3A_22 = arith.constant 0 : index
    %swap3A_23 = vector.load %arg1[%swap3A, %swap3A_21, %swap3A_22] : memref<2x2560x128xi32, #tpu.memory_space<vmem>>, vector<2x2560x128xi32>
    tpu.vector_store %arg1[%swap3A, %swap3A_21, %swap3A_22], %reshape3A {strides = array<i32>} : memref<2x2560x128xi32, #tpu.memory_space<vmem>>, vector<2x2560x128xi32>,
    return
  }
}

module attributes {stable_mosaic.version = 14 : i64} {
  func.func @_tc_prescale_body(%arg0: memref<1256x1024xf32, #tpu.memory_space<vmem>>, %arg1: memref<1024x128xf32, #tpu.memory_space<vmem>>, %arg2: memref<2x1256x128xf32, #tpu.memory_space<vmem>>, %arg3: memref<1256x128xf32, #tpu.memory_space<vmem>>, %arg4: memref<1256x128xf32, #tpu.memory_space<vmem>>) attributes {dimension_semantics = [], scalar_prefetch = 0 : i64, scratch_operands = 0 : i64, tpu.core_type = #tpu.core_type<tc>} {
    %get3A = arith.constant 0 : index
    %get3A_0 = arith.constant 0 : index
    %get3A_1 = vector.load %arg0[%get3A, %get3A_0] : memref<1256x1024xf32, #tpu.memory_space<vmem>>, vector<1256x1024xf32>
    %get3A_2 = arith.constant 0 : index
    %get3A_3 = arith.constant 0 : index
    %get3A_4 = vector.load %arg1[%get3A_2, %get3A_3] : memref<1024x128xf32, #tpu.memory_space<vmem>>, vector<1024x128xf32>
    %dot_general3A = arith.constant dense<0.000000e+00> : vector<1256x128xf32>
    %dot_general3A_5 = tpu.matmul %get3A_1, %get3A_4, %dot_general3A {dimension_numbers = #tpu.dot_dimension_numbers<[1], [0], [0], [1], [0, 0, 1, 1], [], []>, transpose_lhs_hint = false} : vector<1256x1024xf32>, vector<1024x128xf32>, vector<1256x128xf32> -> vector<1256x128xf32>
    %get3A_6 = arith.constant 0 : index
    %get3A_7 = arith.constant 0 : index
    %get3A_8 = arith.constant 0 : index
    %get3A_9 = vector.load %arg2[%get3A_6, %get3A_7, %get3A_8] : memref<2x1256x128xf32, #tpu.memory_space<vmem>>, vector<1x1256x128xf32>
    %get3A_10 = vector.shape_cast %get3A_9 : vector<1x1256x128xf32> to vector<1256x128xf32>
    %get3A_11 = arith.constant 1 : index
    %get3A_12 = arith.constant 0 : index
    %get3A_13 = arith.constant 0 : index
    %get3A_14 = vector.load %arg2[%get3A_11, %get3A_12, %get3A_13] : memref<2x1256x128xf32, #tpu.memory_space<vmem>>, vector<1x1256x128xf32>
    %get3A_15 = vector.shape_cast %get3A_14 : vector<1x1256x128xf32> to vector<1256x128xf32>
    %add3A = arith.addf %get3A_10, %get3A_15 : vector<1256x128xf32>
    %add3A_16 = arith.constant 1.000000e+00 : f32
    %add3A_17 = vector.broadcast %add3A_16 : f32 to vector<1256x128xf32>
    %add3A_18 = arith.addf %add3A, %add3A_17 : vector<1256x128xf32>
    %rsqrt3A = math.rsqrt %add3A_18 : vector<1256x128xf32>
    %swap3A = arith.constant 0 : index
    %swap3A_19 = arith.constant 0 : index
    %swap3A_20 = vector.load %arg4[%swap3A, %swap3A_19] : memref<1256x128xf32, #tpu.memory_space<vmem>>, vector<1256x128xf32>
    tpu.vector_store %arg4[%swap3A, %swap3A_19], %rsqrt3A {strides = array<i32>} : memref<1256x128xf32, #tpu.memory_space<vmem>>, vector<1256x128xf32>,
    %mul3A = arith.mulf %dot_general3A_5, %rsqrt3A : vector<1256x128xf32>
    %swap3A_21 = arith.constant 0 : index
    %swap3A_22 = arith.constant 0 : index
    %swap3A_23 = vector.load %arg3[%swap3A_21, %swap3A_22] : memref<1256x128xf32, #tpu.memory_space<vmem>>, vector<1256x128xf32>
    tpu.vector_store %arg3[%swap3A_21, %swap3A_22], %mul3A {strides = array<i32>} : memref<1256x128xf32, #tpu.memory_space<vmem>>, vector<1256x128xf32>,
    return
  }
}

module attributes {stable_mosaic.version = 14 : i64} {
  func.func @_tc_final_body(%arg0: memref<2x1256x128xf32, #tpu.memory_space<vmem>>, %arg1: memref<1256x128xf32, #tpu.memory_space<vmem>>, %arg2: memref<1256x128xf32, #tpu.memory_space<vmem>>, %arg3: memref<1x128xf32, #tpu.memory_space<vmem>>, %arg4: memref<1256x128xf32, #tpu.memory_space<vmem>>) attributes {dimension_semantics = [], scalar_prefetch = 0 : i64, scratch_operands = 0 : i64, tpu.core_type = #tpu.core_type<tc>} {
    %get3A = arith.constant 0 : index
    %get3A_0 = arith.constant 0 : index
    %get3A_1 = arith.constant 0 : index
    %get3A_2 = vector.load %arg0[%get3A, %get3A_0, %get3A_1] : memref<2x1256x128xf32, #tpu.memory_space<vmem>>, vector<1x1256x128xf32>
    %get3A_3 = vector.shape_cast %get3A_2 : vector<1x1256x128xf32> to vector<1256x128xf32>
    %get3A_4 = arith.constant 1 : index
    %get3A_5 = arith.constant 0 : index
    %get3A_6 = arith.constant 0 : index
    %get3A_7 = vector.load %arg0[%get3A_4, %get3A_5, %get3A_6] : memref<2x1256x128xf32, #tpu.memory_space<vmem>>, vector<1x1256x128xf32>
    %get3A_8 = vector.shape_cast %get3A_7 : vector<1x1256x128xf32> to vector<1256x128xf32>
    %add3A = arith.addf %get3A_3, %get3A_8 : vector<1256x128xf32>
    %get3A_9 = arith.constant 0 : index
    %get3A_10 = arith.constant 0 : index
    %get3A_11 = vector.load %arg1[%get3A_9, %get3A_10] : memref<1256x128xf32, #tpu.memory_space<vmem>>, vector<1256x128xf32>
    %add3A_12 = arith.addf %add3A, %get3A_11 : vector<1256x128xf32>
    %get3A_13 = arith.constant 0 : index
    %get3A_14 = arith.constant 0 : index
    %get3A_15 = vector.load %arg2[%get3A_13, %get3A_14] : memref<1256x128xf32, #tpu.memory_space<vmem>>, vector<1256x128xf32>
    %mul3A = arith.mulf %add3A_12, %get3A_15 : vector<1256x128xf32>
    %get3A_16 = arith.constant 0 : index
    %get3A_17 = arith.constant 0 : index
    %get3A_18 = vector.load %arg3[%get3A_16, %get3A_17] : memref<1x128xf32, #tpu.memory_space<vmem>>, vector<1x128xf32>
    %add3A_19 = vector.broadcast %get3A_18 : vector<1x128xf32> to vector<1256x128xf32>
    %add3A_20 = arith.addf %mul3A, %add3A_19 : vector<1256x128xf32>
    %max3A = arith.constant 0.000000e+00 : f32
    %max3A_21 = vector.broadcast %max3A : f32 to vector<1256x128xf32>
    %max3A_22 = arith.maximumf %add3A_20, %max3A_21 : vector<1256x128xf32>
    %swap3A = arith.constant 0 : index
    %swap3A_23 = arith.constant 0 : index
    %swap3A_24 = vector.load %arg4[%swap3A, %swap3A_23] : memref<1256x128xf32, #tpu.memory_space<vmem>>, vector<1256x128xf32>
    tpu.vector_store %arg4[%swap3A, %swap3A_23], %max3A_22 {strides = array<i32>} : memref<1256x128xf32, #tpu.memory_space<vmem>>, vector<1256x128xf32>,
    return
  }
}

</mosaic_0001>

<sc_bundles>
// kernel: kernel.10.cloned.1.call-start
scs
__scs_entry_jumppad:
0x0: {  	(pc) =	sbr.rel $0x88, $3  }
0x1: {  	(tag) =	ssettag $0x0;
	lr =	simm.s32 $0x1  }
0x2: {  	[smem:$0x3F9D] =	sst lr;
	_ =	strace $0xD0000000  }
0x3: {  	_ = 	snop  }
0x4: {  	_ = 	snop  }
0x5: {  	_ = 	snop  }
0x6: {  	_ = 	snop  }
0x7: {  	_ = 	snop  }
__scs_overlays_trampoline_lowered:
0x8: {  	[smem:$0x3FAC] =	sst s0  }
0x9: {  	[smem:$0x3FAD] =	sst s1  }
0xa: {  	[smem:$0x3FAE] =	sst s2  }
0xb: {  	[smem:$0x3FAF] =	sst s3  }
0xc: {  	[smem:$0x3FB0] =	sst s4  }
0xd: {  	[smem:$0x3FB1] =	sst s5  }
0xe: {  	[smem:$0x3FB2] =	sst s6  }
0xf: {  	[smem:$0x3FB3] =	sst s7  }
0x10: {  	[smem:$0x3FB4] =	sst s8  }
0x11: {  	[smem:$0x3FB5] =	sst s9;
	s0 =	simm.s32 @!p0 $0x0  }
0x12: {  	s1 =	sld [smem:$0x3F9B];
	s0 =	simm.s32 @p0 $0x1  }
0x13: {  	[smem:$0x3FB6] =	sst s0;
	s0 =	simm.s32 @!p1 $0x0  }
0x14: {  	s2 =	sld [smem:$0x3F9A];
	s0 =	simm.s32 @p1 $0x1  }
0x15: {  	[smem:$0x3FB7] =	sst s0;
	s0 =	simm.s32 @!p2 $0x0  }
0x16: {  	s3 =	sld [smem:$0x3FDB];
	s0 =	simm.s32 @p2 $0x1  }
0x17: {  	s4 =	simm.s32 $0x1BF5;
	[smem:$0x3FB9] =	sst s0  }
0x18: {  	s0 =	sld [smem:$0x3F9C];
	_ =	swait.ge [sflag:s4], $0x0  }
0x19: {  	s7 =	sld [smem:$0x3F9D]  }
0x1a: {  	s8 =	sadd.s32 $0xFFFFE003, lr  }
0x1b: {  	s9 =	sadd.s32 $0xFFFFFEF7, lr;
	s5 =	simm.s32 $0xFFFFFFFF;
	p2 =	slt.u32 s8, $0xFFFFF086  }
0x1c: {  	p1 =	slt.u32 s9, $0xF7A;
	s5 =	simm.s32 @!p2 $0x0  }
0x1d: {  	s5 =	simm.s32 @p1 $0x1;
	p0 =	seq.s32 s7, s2  }
0x1e: {  	s7 =	smul.u32 @!p0 $0xF7A, s2;
	p2 =	seq.s32 @!p0 s5, $0x0  }
0x1f: {  	s9 =	smul.u32 $0xF7A, s1;
	s8 =	simm.s32 @!p0 $0x1BF5;
	p2 =	por !p2, p0  }
0x20: {  	[sflag:s8] =	ssyncset.s32 @!p0 $0xFFFFF086;
	s6 =	sadd.s32 @!p0 s3, s7;
	s7 =	simm.s32 @!p0 $0x108  }
0x21: {  	s3 =	sadd.s32 s3, s9;
	s6 =	sadd.s32 @!p0 $0x88, s6;
	s7 =	simm.s32 @p2 $0x1082  }
0x22: {  	[simem:s7], [sflag:s8] =	dma.local @!p0 [hbm:s6], $0xF7A  }
0x23: {  	s9 =	sor.u32 $0xD0000000, s2;
	s6 =	simm.s32 $0x108;
	_ =	swait.ge @!p0 [sflag:s8], $0x0  }
0x24: {  	s3 =	sadd.s32 $0x88, s3;
	s6 =	simm.s32 @!p1 $0x1082;
	[sflag:s4] =	ssyncset.s32 $0xFFFFF086  }
0x25: {  	[simem:s6], [sflag:s4] =	dma.local [hbm:s3], $0xF7A  }
0x26: {  	[smem:$0x3F9D] =	sst s1;
	(tag) =	ssettag s2;
	_ =	strace s9  }
0x27: {  	s1 =	sld [smem:$0x3FAD]  }
0x28: {  	s2 =	sld [smem:$0x3FAE]  }
0x29: {  	s4 =	sld [smem:$0x3FB0]  }
0x2a: {  	p0 =	seq.s32 s5, $0x0;
	s5 =	sld [smem:$0x3FB1]  }
0x2b: {  	s6 =	sld [smem:$0x3FB2]  }
0x2c: {  	s7 =	sld [smem:$0x3FB3]  }
0x2d: {  	s3 =	simm.s32 $0x108;
	s8 =	sld [smem:$0x3FB4]  }
0x2e: {  	s3 =	simm.s32 @!p0 $0x1082;
	s9 =	sld [smem:$0x3FB5]  }
0x2f: {  	lr =	sadd.s32 s0, s3;
	s0 =	sld [smem:$0x3FAC]  }
0x30: {  	s3 =	sld [smem:$0x3FAF]  }
0x31: {  	[smem:$0x3FB8] =	sst s10  }
0x32: {  	s10 =	sld [smem:$0x3FB6];
	_ =	sdelay $0x3  }
0x33: {  	p0 =	seq.s32 s10, $0x1;
	s10 =	sld [smem:$0x3FB8];
	_ =	sdelay $0x3  }
0x34: {  	[smem:$0x3FB8] =	sst s10  }
0x35: {  	s10 =	sld [smem:$0x3FB7];
	_ =	sdelay $0x3  }
0x36: {  	p1 =	seq.s32 s10, $0x1;
	s10 =	sld [smem:$0x3FB8];
	_ =	sdelay $0x3  }
0x37: {  	[smem:$0x3FB8] =	sst s10  }
0x38: {  	s10 =	sld [smem:$0x3FB9]  }
0x39: {  	_ = 	snop;
	(pc) =	sbr.ind lr, $3  }
0x3a: {  	_ = 	snop  }
0x3b: {  	_ = 	snop  }
0x3c: {  	p2 =	seq.s32 s10, $0x1;
	s10 =	sld [smem:$0x3FB8]  }
0x3d: {  	_ =	shalt  }
0x3e: {  	_ =	shalt  }
0x3f: {  	_ =	shalt  }
0x40: {  	_ =	shalt  }
0x41: {  	_ =	shalt  }
0x42: {  	_ =	shalt  }
0x43: {  	_ =	shalt  }
0x44: {  	_ =	shalt  }
0x45: {  	_ =	shalt  }
0x46: {  	_ =	shalt  }
0x47: {  	_ =	shalt  }
0x48: {  	_ =	shalt  }
0x49: {  	_ =	shalt  }
0x4a: {  	_ =	shalt  }
0x4b: {  	_ =	shalt  }
0x4c: {  	_ =	shalt  }
0x4d: {  	_ =	shalt  }
0x4e: {  	_ =	shalt  }
0x4f: {  	_ =	shalt  }
0x50: {  	_ =	shalt  }
0x51: {  	_ =	shalt  }
0x52: {  	_ =	shalt  }
0x53: {  	_ =	shalt  }
0x54: {  	_ =	shalt  }
0x55: {  	_ =	shalt  }
0x56: {  	_ =	shalt  }
0x57: {  	_ =	shalt  }
0x58: {  	_ =	shalt  }
0x59: {  	_ =	shalt  }
0x5a: {  	_ =	shalt  }
0x5b: {  	_ =	shalt  }
0x5c: {  	_ =	shalt  }
0x5d: {  	_ =	shalt  }
0x5e: {  	_ =	shalt  }
0x5f: {  	_ =	shalt  }
0x60: {  	_ =	shalt  }
0x61: {  	_ =	shalt  }
0x62: {  	_ =	shalt  }
0x63: {  	_ =	shalt  }
0x64: {  	_ =	shalt  }
0x65: {  	_ =	shalt  }
0x66: {  	_ =	shalt  }
0x67: {  	_ =	shalt  }
0x68: {  	_ =	shalt  }
0x69: {  	_ =	shalt  }
0x6a: {  	_ =	shalt  }
0x6b: {  	_ =	shalt  }
0x6c: {  	_ =	shalt  }
0x6d: {  	_ =	shalt  }
0x6e: {  	_ =	shalt  }
0x6f: {  	_ =	shalt  }
0x70: {  	_ =	shalt  }
0x71: {  	_ =	shalt  }
0x72: {  	_ =	shalt  }
0x73: {  	_ =	shalt  }
0x74: {  	_ =	shalt  }
0x75: {  	_ =	shalt  }
0x76: {  	_ =	shalt  }
0x77: {  	_ =	shalt  }
0x78: {  	_ =	shalt  }
0x79: {  	_ =	shalt  }
0x7a: {  	_ =	shalt  }
0x7b: {  	_ =	shalt  }
0x7c: {  	_ =	shalt  }
0x7d: {  	_ =	shalt  }
0x7e: {  	_ =	shalt  }
0x7f: {  	_ =	shalt  }
0x80: {  	_ =	shalt  }
0x81: {  	_ =	shalt  }
0x82: {  	_ =	shalt  }
0x83: {  	_ =	shalt  }
0x84: {  	_ =	shalt  }
0x85: {  	_ =	shalt  }
0x86: {  	_ =	shalt  }
0x87: {  	_ =	shalt  }
.Lfunc_end0:
.L_simem_size_0:
called_computation.1_lowered:
.L_overlay_start_0:
0x88: {  	s2 =	sld [smem:$0x3FD9]  }
0x89: {  	s3 =	sld [smem:$0x3FFE];
	_ =	sdelay $0x1  }
0x8a: {  	s1 =	srdreg.scid  }
0x8b: {  	s0 =	sand.u32 $0x1, s1  }
0x8c: {  	s17 =	sshll.u32 s0, $0xA;
	s2 =	sadd.s32 s3, s2  }
0x8d: {  	s2 =	sadd.s32 s2, s17  }
0x8e: {  	[smem:$0x3FC4] =	sst s2  }
0x8f: {  	_ = 	snop  }
0x90: {  	s2 =	sld [smem:$0x3FD0];
	(tm) =	ssettm $0x1  }
0x91: {  	s18 =	sld [smem:$0x3FFB];
	_ =	sdelay $0x3  }
0x92: {  	_ =	strace s18  }
0x93: {  	s3 =	sld [smem:$0x3FFC];
	_ =	sdelay $0x3  }
0x94: {  	_ =	strace s3  }
0x95: {  	s3 =	sld [smem:$0x3FFD];
	_ =	sdelay $0x3  }
0x96: {  	_ =	strace s3  }
0x97: {  	_ =	strace $0x8FFFFFFF  }
0x98: {  	s19 =	sld [smem:$0x3FDB];
	_ =	sdelay $0x1  }
0x99: {  	s4 =	simm.s32 $_scs_section_size  }
0x9a: {  	s5 =	simm.s32 $_size__tile_overlayer_lowered;
	s6 =	simm.s32 $_tile_overlayer_lowered  }
0x9b: {  	s22 =	simm.s32 $0x1BFF;
	s21 =	sshll.u32 s6, $0x1;
	s3 =	sadd.s32 s4, s19  }
0x9c: {  	s7 =	simm.s32 $0x0;
	s20 =	sshll.u32 s5, $0x1;
	s5 =	sadd.s32 s21, s3  }
0x9d: {  	[timem:s7], [sflag:s22] =	dma.local [hbm:s5], s20  }
0x9e: {  	_ =	swait.ge [sflag:s22], s20  }
0x9f: {  	s4 =	ssub.s32 $0x0, s20;
	[sflag:s22] =	ssyncset.done $0x0  }
0xa0: {  	[sflag:s22] =	ssyncadd.s32 s4;
	_ =	sdelay $0x1  }
0xa1: {  	s23 =	simm.s32 $0x1B8B  }
0xa2: {  	_ =	swait.ge [sflag:s23], $0x1  }
0xa3: {  	[sflag:s23] =	ssyncset.done $0x0  }
0xa4: {  	s25 =	simm.s32 $0x1B8E;
	s24 =	sld [smem:$0x3FFE];
	[sflag:s23] =	ssyncadd.s32 $0xFFFFFFFF  }
0xa5: {  	s26 =	simm.s32 $execute0_lowered;
	[smem:$0x3FD2] =	sst s25  }
0xa6: {  	s5 =	sshll.u32 s26, $0x1;
	_ =	strace $0x80000049;
	[dreg:$0x1] =	wrdreg $0xFFFFFFFF  }
0xa7: {  	s28 =	simm.s32 $_size_execute0_lowered;
	s3 =	sadd.s32 s3, s5;
	[dreg:$0x0] =	wrdreg $0x0  }
0xa8: {  	s5 =	sshll.u32 s28, $0x1;
	[dreg:$0x2] =	wrdreg s3  }
0xa9: {  	[dreg:$0x3] =	wrdreg s5  }
0xaa: {  	[dreg:$0x4] =	wrdreg $0xC0  }
0xab: {  	_ =	task [dreg:s7], $0x5FFFF  }
0xac: {  	[dreg:$0x1] =	wrdreg $0xFFFFFFFF  }
0xad: {  	[dreg:$0x0] =	wrdreg $0x60  }
0xae: {  	[dreg:$0x2] =	wrdreg s24  }
0xaf: {  	[dreg:$0x3] =	wrdreg s2  }
0xb0: {  	[dreg:$0x4] =	wrdreg $0x97400  }
0xb1: {  	[dreg:$0x5] =	wrdreg $0x70000  }
0xb2: {  	[dreg:$0x6] =	wrdreg $0x9  }
0xb3: {  	_ =	task.clear_ibuf [dreg:s7], $0x7FFFF;
	_ =	strace $0x90000049  }
0xb4: {  	s29 =	simm.s32 $0x9;
	_ =	strace $0x8000004B  }
0xb5: {  	_ =	swait.ge [sflag:s29], $0x1  }
0xb6: {  	[sflag:s29] =	ssyncadd.s32 $0xFFFFFFFF  }
0xb7: {  	_ =	strace $0x9000004B  }
0xb8: {  	_ =	sfence  }
0xb9: {  	s30 =	sld [smem:$0x0];
	_ =	sdelay $0x2  }
0xba: {  	s31 =	sshll.u32 s1, $0xD;
	s1 =	sshrl.u32 s1, $0x2  }
0xbb: {  	s3 =	sand.u32 $0x4000, s31;
	s1 =	sadd.s32 s1, s30  }
0xbc: {  	s0 =	sor.u32 s3, s0;
	s1 =	sshll.u32 s1, $0x11  }
0xbd: {  	s0 =	sor.u32 s1, s0  }
0xbe: {  	s0 =	sadd.s32 $0x8F2B, s0  }
0xbf: {  	[sflag:s0] =	ssyncadd.remote.s32 $0x1  }
0xc0: {  	_ =	sfence.sel $0xFFFF  }
0xc1: {  	[dreg:$0x0] =	wrdreg $0xFFFFFFFF;
	(pc) =	sbr.abs _section_cstart, $3  }
0xc2: {  	[dreg:$0x1] =	wrdreg $0xFFFFFFFF  }
0xc3: {  	_ =	task.clear_ibuf [dreg:s7], $0x2FFFF;
	_ =	strace $0x9FFFFFFF  }
0xc4: {  	(tm) =	ssettm $0x7FFFFFFF  }
0xc5: {  	_ =	shalt  }
tec
execute0_lowered:
.L_overlay_start_1:
0x0: {  	(tag) =	ssettag $0x1  }
0x1: {  	s0 =	rddreg [dreg:$0x0]  }
0x2: {  	s1 =	rddreg [dreg:$0x2];
	s2 =	srdreg.scid  }
0x3: {  	s5 =	stileid.u32;
	s3 =	rddreg [dreg:$0x3]  }
0x4: {  	s4 =	simm.s32 $0x0;
	s10 =	simm.s32 $0x9;
	s11 =	simm.s32 $0x2800  }
0x5: {  	s14 =	simm.s32 $0x80;
	s15 =	simm.s32 $0x5000;
	s16 =	simm.s32 $0x5800  }
0x6: {  	s17 =	simm.s32 $0x1;
	s19 =	simm.s32 $0x6000;
	s20 =	simm.s32 $0x2  }
0x7: {  	s23 =	simm.s32 $0x6800;
	s24 =	simm.s32 $0x3;
	s26 =	simm.s32 $0x5  }
0x8: {  	s29 =	simm.s32 $0x4;
	s31 =	simm.s32 $0x6;
	s13 =	simm.s32 $0x7  }
0x9: {  	s18 =	simm.s32 $0x8;
	s12 =	simm.s32 $0x4F00;
	s21 =	simm.s32 $0x4F80  }
0xa: {  	s22 =	simm.s32 $0x0;
	s2 =	sand.u32 $0x1, s2;
	s6 =	sshll.u32 s5, $0x1  }
0xb: {  	[smem:$0x7FF] =	sst s4;
	s8 =	sadd.s32 $0x16200, s0;
	p0 =	seq.s32 s5, $0x1  }
0xc: {  	s30 =	sshrl.u32 s3, $0x3;
	p1 =	sne.s32 s5, $0x0;
	s6 =	sor.u32 s2, s6  }
0xd: {  	s5 =	simm.s32 $0x2780;
	_ =	strace $0x8000004A;
	s6 =	smul.u32 $0x2800, s6  }
0xe: {  	s7 =	smul.u32 $0x4E80, s2;
	s2 =	ssub.s32 $0x2, s2;
	[dreg:$0x5] =	wrdreg s8  }
0xf: {  	[dreg:$0x6] =	wrdreg s30;
	s28 =	sshrl.u32 s2, $0x1;
	s6 =	sshrl.u32 s6, $0x3  }
0x10: {  	s2 =	ssub.s32 s2, s28;
	s9 =	sadd.s32 s6, s0;
	s0 =	sadd.s32 s7, s0  }
0x11: {  	s6 =	sadd.s32 $0x2200, s9;
	s7 =	sadd.s32 $0xC200, s9;
	s8 =	sadd.s32 $0x1B200, s0  }
0x12: {  	s9 =	smax.u32 s2, $0x1;
	s2 =	simm.s32 $0x2700;
	s0 =	simm.s32 $0x4E80  }
.LBB2_1:
0x13: {  	[tilespmem:s4], [sflag:$0x9] =	stream.linear.gather [hbm4b:s6+s4], $0x2800, $0x38;
	[tilespmem:$0xBE80] =	vst v63  }
0x14: {  	_ =	swait.ge [sflag:s10], $0x2800  }
0x15: {  	[sflag:s10] =	ssyncset.done $0x0  }
.Ltmp0:
0x16: {  	[sflag:s10] =	ssyncadd.s32 $0xFFFFD800;
	(pc) =	sbr.rel @p0 .LBB2_4-.Ltmp0, $4  }
0x17: {  	[tilespmem:s11], [sflag:$0x9] =	stream.linear.gather [hbm4b:s7+s4], $0x2800, $0x38;
	[tilespmem:$0xBE80] =	vst v63  }
0x18: {  	_ =	swait.ge [sflag:s10], $0x2800  }
0x19: {  	[sflag:s10] =	ssyncset.done $0x0  }
0x1a: {  	[sflag:s10] =	ssyncadd.s32 $0xFFFFD800  }
.Ltmp1:
0x1b: {  	(pc) =	sbr.rel @p1 .LBB2_6-.Ltmp1, $1  }
0x1c: {  	_ =	sdelay $0x3  }
.Ltmp2:
0x1d: {  	(pc) =	sbr.rel .LBB2_5-.Ltmp2, $3  }
0x1e: {  	_ =	sdelay $0x1  }
0x1f: {  	s25 =	sshrl.u32 s1, $0x3;
	s28 =	rddreg [dreg:$0x1];
	s30 =	simm.s32 $0x1C09  }
0x20: {  	[spmem:s25], [sflag:s30] =	dma.local [hbm:s28], $0x4E80  }
.LBB2_4:
0x21: {  	s25 =	rddreg [dreg:$0x5]  }
0x22: {  	s28 =	rddreg [dreg:$0x6];
	s30 =	simm.s32 $0x1C49  }
0x23: {  	[spmem:s28], [sflag:s30] =	dma.local [hbm:s25], $0x4E80  }
.LBB2_5:
0x24: {  	_ =	swait.ge [sflag:s10], $0x4E80  }
0x25: {  	[sflag:s10] =	ssyncset.done $0x0  }
0x26: {  	[sflag:s10] =	ssyncadd.s32 $0xFFFFB180  }
.LBB2_6:
0x27: {  	[bflag:$0x0] =	sbarrier.arrive $0xFFFF;
	s25 =	simm.s32 $0x0  }
0x28: {  	[tilespmem:s15], [sflag:$0x1] =	stream.indirect.gather [spmem:s3], $0x10, s25, s14, $0xb8;
	[tilespmem:$0xBE80] =	vst v63  }
0x29: {  	_ = 	snop  }
0x2a: {  	[tilespmem:s16], [sflag:$0x2] =	stream.indirect.gather [spmem:s3], $0x10, s14, s14, $0xb8;
	[tilespmem:$0xBE80] =	vst v63  }
0x2b: {  	_ =	swait.ge [sflag:s17], $0x800  }
0x2c: {  	[sflag:s17] =	ssyncset.done $0x0  }
0x2d: {  	[sflag:s17] =	ssyncadd.s32 $0xFFFFF800  }
0x2e: {  	[spmem:s1] =	stream.indirect.scatter.add.f32 [tilespmem:s15], [sflag:$0x5], $0x10, s11, s14, $0xb8;
	[tilespmem:$0xBE80] =	vst v63  }
0x2f: {  	s30 =	simm.s32 $0x100  }
0x30: {  	[tilespmem:s19], [sflag:$0x3] =	stream.indirect.gather [spmem:s3], $0x10, s30, s14, $0xb8;
	[tilespmem:$0xBE80] =	vst v63  }
0x31: {  	_ =	swait.ge [sflag:s20], $0x800  }
0x32: {  	[sflag:s20] =	ssyncset.done $0x0  }
0x33: {  	s30 =	simm.s32 $0x2880;
	[sflag:s20] =	ssyncadd.s32 $0xFFFFF800  }
0x34: {  	[spmem:s1] =	stream.indirect.scatter.add.f32 [tilespmem:s16], [sflag:$0x6], $0x10, s30, s14, $0xb8;
	[tilespmem:$0xBE80] =	vst v63  }
0x35: {  	s30 =	simm.s32 $0x180  }
0x36: {  	[tilespmem:s23], [sflag:$0x4] =	stream.indirect.gather [spmem:s3], $0x10, s30, s14, $0xb8;
	[tilespmem:$0xBE80] =	vst v63  }
0x37: {  	_ =	swait.ge [sflag:s24], $0x800  }
0x38: {  	[sflag:s24] =	ssyncset.done $0x0  }
0x39: {  	s30 =	simm.s32 $0x2900;
	[sflag:s24] =	ssyncadd.s32 $0xFFFFF800  }
0x3a: {  	[spmem:s1] =	stream.indirect.scatter.add.f32 [tilespmem:s19], [sflag:$0x7], $0x10, s30, s14, $0xb8;
	[tilespmem:$0xBE80] =	vst v63  }
0x3b: {  	_ =	swait.ge [sflag:s26], $0x800  }
0x3c: {  	[sflag:s26] =	ssyncset.done $0x0  }
0x3d: {  	s30 =	simm.s32 $0x200;
	[sflag:s26] =	ssyncadd.s32 $0xFFFFF800  }
0x3e: {  	[tilespmem:s15], [sflag:$0x1] =	stream.indirect.gather [spmem:s3], $0x10, s30, s14, $0xb8;
	[tilespmem:$0xBE80] =	vst v63  }
0x3f: {  	_ =	swait.ge [sflag:s29], $0x800  }
0x40: {  	[sflag:s29] =	ssyncset.done $0x0  }
0x41: {  	s30 =	simm.s32 $0x2980;
	[sflag:s29] =	ssyncadd.s32 $0xFFFFF800  }
0x42: {  	[spmem:s1] =	stream.indirect.scatter.add.f32 [tilespmem:s23], [sflag:$0x8], $0x10, s30, s14, $0xb8;
	[tilespmem:$0xBE80] =	vst v63  }
0x43: {  	_ =	swait.ge [sflag:s31], $0x800  }
0x44: {  	[sflag:s31] =	ssyncset.done $0x0  }
0x45: {  	s30 =	simm.s32 $0x280;
	[sflag:s31] =	ssyncadd.s32 $0xFFFFF800  }
0x46: {  	[tilespmem:s16], [sflag:$0x2] =	stream.indirect.gather [spmem:s3], $0x10, s30, s14, $0xb8;
	[tilespmem:$0xBE80] =	vst v63  }
0x47: {  	_ =	swait.ge [sflag:s17], $0x800  }
0x48: {  	[sflag:s17] =	ssyncset.done $0x0  }
0x49: {  	s30 =	simm.s32 $0x2A00;
	[sflag:s17] =	ssyncadd.s32 $0xFFFFF800  }
0x4a: {  	[spmem:s1] =	stream.indirect.scatter.add.f32 [tilespmem:s15], [sflag:$0x5], $0x10, s30, s14, $0xb8;
	[tilespmem:$0xBE80] =	vst v63  }
0x4b: {  	_ =	swait.ge [sflag:s13], $0x800  }
0x4c: {  	[sflag:s13] =	ssyncset.done $0x0  }
0x4d: {  	s30 =	simm.s32 $0x300;
	[sflag:s13] =	ssyncadd.s32 $0xFFFFF800  }
0x4e: {  	[tilespmem:s19], [sflag:$0x3] =	stream.indirect.gather [spmem:s3], $0x10, s30, s14, $0xb8;
	[tilespmem:$0xBE80] =	vst v63  }
0x4f: {  	_ =	swait.ge [sflag:s20], $0x800  }
0x50: {  	[sflag:s20] =	ssyncset.done $0x0  }
0x51: {  	s30 =	simm.s32 $0x2A80;
	[sflag:s20] =	ssyncadd.s32 $0xFFFFF800  }
0x52: {  	[spmem:s1] =	stream.indirect.scatter.add.f32 [tilespmem:s16], [sflag:$0x6], $0x10, s30, s14, $0xb8;
	[tilespmem:$0xBE80] =	vst v63  }
0x53: {  	_ =	swait.ge [sflag:s18], $0x800  }
0x54: {  	[sflag:s18] =	ssyncset.done $0x0  }
0x55: {  	s30 =	simm.s32 $0x380;
	[sflag:s18] =	ssyncadd.s32 $0xFFFFF800  }
0x56: {  	[tilespmem:s23], [sflag:$0x4] =	stream.indirect.gather [spmem:s3], $0x10, s30, s14, $0xb8;
	[tilespmem:$0xBE80] =	vst v63  }
0x57: {  	_ =	swait.ge [sflag:s24], $0x800  }
0x58: {  	[sflag:s24] =	ssyncset.done $0x0  }
0x59: {  	s30 =	simm.s32 $0x2B00;
	[sflag:s24] =	ssyncadd.s32 $0xFFFFF800  }
0x5a: {  	[spmem:s1] =	stream.indirect.scatter.add.f32 [tilespmem:s19], [sflag:$0x7], $0x10, s30, s14, $0xb8;
	[tilespmem:$0xBE80] =	vst v63  }
0x5b: {  	_ =	swait.ge [sflag:s26], $0x800  }
0x5c: {  	[sflag:s26] =	ssyncset.done $0x0  }
0x5d: {  	s30 =	simm.s32 $0x400;
	[sflag:s26] =	ssyncadd.s32 $0xFFFFF800  }
0x5e: {  	[tilespmem:s15], [sflag:$0x1] =	stream.indirect.gather [spmem:s3], $0x10, s30, s14, $0xb8;
	[tilespmem:$0xBE80] =	vst v63  }
0x5f: {  	_ =	swait.ge [sflag:s29], $0x800  }
0x60: {  	[sflag:s29] =	ssyncset.done $0x0  }
0x61: {  	s30 =	simm.s32 $0x2B80;
	[sflag:s29] =	ssyncadd.s32 $0xFFFFF800  }
0x62: {  	[spmem:s1] =	stream.indirect.scatter.add.f32 [tilespmem:s23], [sflag:$0x8], $0x10, s30, s14, $0xb8;
	[tilespmem:$0xBE80] =	vst v63  }
0x63: {  	_ =	swait.ge [sflag:s31], $0x800  }
0x64: {  	[sflag:s31] =	ssyncset.done $0x0  }
0x65: {  	s30 =	simm.s32 $0x480;
	[sflag:s31] =	ssyncadd.s32 $0xFFFFF800  }
0x66: {  	[tilespmem:s16], [sflag:$0x2] =	stream.indirect.gather [spmem:s3], $0x10, s30, s14, $0xb8;
	[tilespmem:$0xBE80] =	vst v63  }
0x67: {  	_ =	swait.ge [sflag:s17], $0x800  }
0x68: {  	[sflag:s17] =	ssyncset.done $0x0  }
0x69: {  	s30 =	simm.s32 $0x2C00;
	[sflag:s17] =	ssyncadd.s32 $0xFFFFF800  }
0x6a: {  	[spmem:s1] =	stream.indirect.scatter.add.f32 [tilespmem:s15], [sflag:$0x5], $0x10, s30, s14, $0xb8;
	[tilespmem:$0xBE80] =	vst v63  }
0x6b: {  	_ =	swait.ge [sflag:s13], $0x800  }
0x6c: {  	[sflag:s13] =	ssyncset.done $0x0  }
0x6d: {  	s30 =	simm.s32 $0x500;
	[sflag:s13] =	ssyncadd.s32 $0xFFFFF800  }
0x6e: {  	[tilespmem:s19], [sflag:$0x3] =	stream.indirect.gather [spmem:s3], $0x10, s30, s14, $0xb8;
	[tilespmem:$0xBE80] =	vst v63  }
0x6f: {  	_ =	swait.ge [sflag:s20], $0x800  }
0x70: {  	[sflag:s20] =	ssyncset.done $0x0  }
0x71: {  	s30 =	simm.s32 $0x2C80;
	[sflag:s20] =	ssyncadd.s32 $0xFFFFF800  }
0x72: {  	[spmem:s1] =	stream.indirect.scatter.add.f32 [tilespmem:s16], [sflag:$0x6], $0x10, s30, s14, $0xb8;
	[tilespmem:$0xBE80] =	vst v63  }
0x73: {  	_ =	swait.ge [sflag:s18], $0x800  }
0x74: {  	[sflag:s18] =	ssyncset.done $0x0  }
0x75: {  	s30 =	simm.s32 $0x580;
	[sflag:s18] =	ssyncadd.s32 $0xFFFFF800  }
0x76: {  	[tilespmem:s23], [sflag:$0x4] =	stream.indirect.gather [spmem:s3], $0x10, s30, s14, $0xb8;
	[tilespmem:$0xBE80] =	vst v63  }
0x77: {  	_ =	swait.ge [sflag:s24], $0x800  }
0x78: {  	[sflag:s24] =	ssyncset.done $0x0  }
0x79: {  	s30 =	simm.s32 $0x2D00;
	[sflag:s24] =	ssyncadd.s32 $0xFFFFF800  }
0x7a: {  	[spmem:s1] =	stream.indirect.scatter.add.f32 [tilespmem:s19], [sflag:$0x7], $0x10, s30, s14, $0xb8;
	[tilespmem:$0xBE80] =	vst v63  }
0x7b: {  	_ =	swait.ge [sflag:s26], $0x800  }
0x7c: {  	[sflag:s26] =	ssyncset.done $0x0  }
0x7d: {  	s30 =	simm.s32 $0x600;
	[sflag:s26] =	ssyncadd.s32 $0xFFFFF800  }
0x7e: {  	[tilespmem:s15], [sflag:$0x1] =	stream.indirect.gather [spmem:s3], $0x10, s30, s14, $0xb8;
	[tilespmem:$0xBE80] =	vst v63  }
0x7f: {  	_ =	swait.ge [sflag:s29], $0x800  }
0x80: {  	[sflag:s29] =	ssyncset.done $0x0  }
0x81: {  	s30 =	simm.s32 $0x2D80;
	[sflag:s29] =	ssyncadd.s32 $0xFFFFF800  }
0x82: {  	[spmem:s1] =	stream.indirect.scatter.add.f32 [tilespmem:s23], [sflag:$0x8], $0x10, s30, s14, $0xb8;
	[tilespmem:$0xBE80] =	vst v63  }
0x83: {  	_ =	swait.ge [sflag:s31], $0x800  }
0x84: {  	[sflag:s31] =	ssyncset.done $0x0  }
0x85: {  	s30 =	simm.s32 $0x680;
	[sflag:s31] =	ssyncadd.s32 $0xFFFFF800  }
0x86: {  	[tilespmem:s16], [sflag:$0x2] =	stream.indirect.gather [spmem:s3], $0x10, s30, s14, $0xb8;
	[tilespmem:$0xBE80] =	vst v63  }
0x87: {  	_ =	swait.ge [sflag:s17], $0x800  }
0x88: {  	[sflag:s17] =	ssyncset.done $0x0  }
0x89: {  	s30 =	simm.s32 $0x2E00;
	[sflag:s17] =	ssyncadd.s32 $0xFFFFF800  }
0x8a: {  	[spmem:s1] =	stream.indirect.scatter.add.f32 [tilespmem:s15], [sflag:$0x5], $0x10, s30, s14, $0xb8;
	[tilespmem:$0xBE80] =	vst v63  }
0x8b: {  	_ =	swait.ge [sflag:s13], $0x800  }
0x8c: {  	[sflag:s13] =	ssyncset.done $0x0  }
0x8d: {  	s30 =	simm.s32 $0x700;
	[sflag:s13] =	ssyncadd.s32 $0xFFFFF800  }
0x8e: {  	[tilespmem:s19], [sflag:$0x3] =	stream.indirect.gather [spmem:s3], $0x10, s30, s14, $0xb8;
	[tilespmem:$0xBE80] =	vst v63  }
0x8f: {  	_ =	swait.ge [sflag:s20], $0x800  }
0x90: {  	[sflag:s20] =	ssyncset.done $0x0  }
0x91: {  	s30 =	simm.s32 $0x2E80;
	[sflag:s20] =	ssyncadd.s32 $0xFFFFF800  }
0x92: {  	[spmem:s1] =	stream.indirect.scatter.add.f32 [tilespmem:s16], [sflag:$0x6], $0x10, s30, s14, $0xb8;
	[tilespmem:$0xBE80] =	vst v63  }
0x93: {  	_ =	swait.ge [sflag:s18], $0x800  }
0x94: {  	[sflag:s18] =	ssyncset.done $0x0  }
0x95: {  	s30 =	simm.s32 $0x780;
	[sflag:s18] =	ssyncadd.s32 $0xFFFFF800  }
0x96: {  	[tilespmem:s23], [sflag:$0x4] =	stream.indirect.gather [spmem:s3], $0x10, s30, s14, $0xb8;
	[tilespmem:$0xBE80] =	vst v63  }
0x97: {  	_ =	swait.ge [sflag:s24], $0x800  }
0x98: {  	[sflag:s24] =	ssyncset.done $0x0  }
0x99: {  	s30 =	simm.s32 $0x2F00;
	[sflag:s24] =	ssyncadd.s32 $0xFFFFF800  }
0x9a: {  	[spmem:s1] =	stream.indirect.scatter.add.f32 [tilespmem:s19], [sflag:$0x7], $0x10, s30, s14, $0xb8;
	[tilespmem:$0xBE80] =	vst v63  }
0x9b: {  	_ =	swait.ge [sflag:s26], $0x800  }
0x9c: {  	[sflag:s26] =	ssyncset.done $0x0  }
0x9d: {  	s30 =	simm.s32 $0x800;
	[sflag:s26] =	ssyncadd.s32 $0xFFFFF800  }
0x9e: {  	[tilespmem:s15], [sflag:$0x1] =	stream.indirect.gather [spmem:s3], $0x10, s30, s14, $0xb8;
	[tilespmem:$0xBE80] =	vst v63  }
0x9f: {  	_ =	swait.ge [sflag:s29], $0x800  }
0xa0: {  	[sflag:s29] =	ssyncset.done $0x0  }
0xa1: {  	s28 =	simm.s32 $0x2F80;
	s25 =	simm.s32 $0x800;
	[sflag:s29] =	ssyncadd.s32 $0xFFFFF800  }
.LBB2_7:
0xa2: {  	[spmem:s1] =	stream.indirect.scatter.add.f32 [tilespmem:s23], [sflag:$0x8], $0x10, s28, s14, $0xb8;
	[tilespmem:$0xBE80] =	vst v63  }
0xa3: {  	s28 =	smov.u32 s25  }
0xa4: {  	p2 =	sne.s32 s25, $0x7800;
	s25 =	sadd.s32 $0x800, s25;
	_ =	swait.ge [sflag:s31], $0x800  }
0xa5: {  	s28 =	sshra.s32 s28, $0x2;
	[sflag:s31] =	ssyncset.done $0x0  }
0xa6: {  	s30 =	sadd.s32 $0x680, s28;
	[sflag:s31] =	ssyncadd.s32 $0xFFFFF800  }
0xa7: {  	[tilespmem:s16], [sflag:$0x2] =	stream.indirect.gather [spmem:s3], $0x10, s30, s14, $0xb8;
	[tilespmem:$0xBE80] =	vst v63  }
0xa8: {  	_ =	swait.ge [sflag:s17], $0x800  }
0xa9: {  	[sflag:s17] =	ssyncset.done $0x0  }
0xaa: {  	s30 =	sadd.s32 $0x2E00, s28;
	[sflag:s17] =	ssyncadd.s32 $0xFFFFF800  }
0xab: {  	[spmem:s1] =	stream.indirect.scatter.add.f32 [tilespmem:s15], [sflag:$0x5], $0x10, s30, s14, $0xb8;
	[tilespmem:$0xBE80] =	vst v63  }
0xac: {  	_ =	swait.ge [sflag:s13], $0x800  }
0xad: {  	[sflag:s13] =	ssyncset.done $0x0  }
0xae: {  	s30 =	sadd.s32 $0x700, s28;
	[sflag:s13] =	ssyncadd.s32 $0xFFFFF800  }
0xaf: {  	[tilespmem:s19], [sflag:$0x3] =	stream.indirect.gather [spmem:s3], $0x10, s30, s14, $0xb8;
	[tilespmem:$0xBE80] =	vst v63  }
0xb0: {  	_ =	swait.ge [sflag:s20], $0x800  }
0xb1: {  	[sflag:s20] =	ssyncset.done $0x0  }
0xb2: {  	s30 =	sadd.s32 $0x2E80, s28;
	[sflag:s20] =	ssyncadd.s32 $0xFFFFF800  }
0xb3: {  	[spmem:s1] =	stream.indirect.scatter.add.f32 [tilespmem:s16], [sflag:$0x6], $0x10, s30, s14, $0xb8;
	[tilespmem:$0xBE80] =	vst v63  }
0xb4: {  	_ =	swait.ge [sflag:s18], $0x800  }
0xb5: {  	[sflag:s18] =	ssyncset.done $0x0  }
0xb6: {  	s30 =	sadd.s32 $0x780, s28;
	[sflag:s18] =	ssyncadd.s32 $0xFFFFF800  }
0xb7: {  	[tilespmem:s23], [sflag:$0x4] =	stream.indirect.gather [spmem:s3], $0x10, s30, s14, $0xb8;
	[tilespmem:$0xBE80] =	vst v63  }
0xb8: {  	_ =	swait.ge [sflag:s24], $0x800  }
0xb9: {  	[sflag:s24] =	ssyncset.done $0x0  }
0xba: {  	s30 =	sadd.s32 $0x2F00, s28;
	[sflag:s24] =	ssyncadd.s32 $0xFFFFF800  }
0xbb: {  	[spmem:s1] =	stream.indirect.scatter.add.f32 [tilespmem:s19], [sflag:$0x7], $0x10, s30, s14, $0xb8;
	[tilespmem:$0xBE80] =	vst v63  }
0xbc: {  	_ =	swait.ge [sflag:s26], $0x800  }
0xbd: {  	[sflag:s26] =	ssyncset.done $0x0  }
.Ltmp3:
0xbe: {  	s30 =	sadd.s32 $0x800, s28;
	[sflag:s26] =	ssyncadd.s32 $0xFFFFF800;
	(pc) =	sbr.rel @p2 .LBB2_7-.Ltmp3, $4  }
0xbf: {  	[tilespmem:s15], [sflag:$0x1] =	stream.indirect.gather [spmem:s3], $0x10, s30, s14, $0xb8;
	[tilespmem:$0xBE80] =	vst v63  }
0xc0: {  	_ =	swait.ge [sflag:s29], $0x800  }
0xc1: {  	[sflag:s29] =	ssyncset.done $0x0  }
0xc2: {  	s28 =	sadd.s32 $0x2F80, s28;
	[sflag:s29] =	ssyncadd.s32 $0xFFFFF800  }
0xc3: {  	[spmem:s1] =	stream.indirect.scatter.add.f32 [tilespmem:s23], [sflag:$0x8], $0x10, s28, s14, $0xb8;
	[tilespmem:$0xBE80] =	vst v63  }
0xc4: {  	_ =	swait.ge [sflag:s31], $0x800  }
0xc5: {  	[sflag:s31] =	ssyncset.done $0x0  }
0xc6: {  	s25 =	simm.s32 $0x2680;
	[sflag:s31] =	ssyncadd.s32 $0xFFFFF800  }
0xc7: {  	[tilespmem:s16], [sflag:$0x2] =	stream.indirect.gather [spmem:s3], $0x10, s25, s14, $0xb8;
	[tilespmem:$0xBE80] =	vst v63  }
0xc8: {  	_ =	swait.ge [sflag:s17], $0x800  }
0xc9: {  	[sflag:s17] =	ssyncset.done $0x0  }
0xca: {  	s30 =	simm.s32 $0x4E00;
	[sflag:s17] =	ssyncadd.s32 $0xFFFFF800  }
0xcb: {  	[spmem:s1] =	stream.indirect.scatter.add.f32 [tilespmem:s15], [sflag:$0x5], $0x10, s30, s14, $0xb8;
	[tilespmem:$0xBE80] =	vst v63  }
0xcc: {  	_ =	swait.ge [sflag:s13], $0x800  }
0xcd: {  	[sflag:s13] =	ssyncset.done $0x0  }
0xce: {  	[sflag:s13] =	ssyncadd.s32 $0xFFFFF800  }
0xcf: {  	[tilespmem:s19], [sflag:$0x3] =	stream.indirect.gather [spmem:s3], $0x10, s2, s14, $0xb8;
	[tilespmem:$0xBE80] =	vst v63  }
0xd0: {  	_ =	swait.ge [sflag:s20], $0x800  }
0xd1: {  	[sflag:s20] =	ssyncset.done $0x0  }
0xd2: {  	[sflag:s20] =	ssyncadd.s32 $0xFFFFF800  }
0xd3: {  	[spmem:s1] =	stream.indirect.scatter.add.f32 [tilespmem:s16], [sflag:$0x6], $0x10, s0, s14, $0xb8;
	[tilespmem:$0xBE80] =	vst v63  }
0xd4: {  	_ =	swait.ge [sflag:s18], $0x800  }
0xd5: {  	[sflag:s18] =	ssyncset.done $0x0  }
0xd6: {  	[sflag:s18] =	ssyncadd.s32 $0xFFFFF800  }
0xd7: {  	[tilespmem:s23], [sflag:$0x4] =	stream.indirect.gather [spmem:s3], $0x10, s5, s14, $0xb8;
	[tilespmem:$0xBE80] =	vst v63  }
0xd8: {  	_ =	swait.ge [sflag:s24], $0x800  }
0xd9: {  	[sflag:s24] =	ssyncset.done $0x0  }
0xda: {  	[sflag:s24] =	ssyncadd.s32 $0xFFFFF800  }
0xdb: {  	[spmem:s1] =	stream.indirect.scatter.add.f32 [tilespmem:s19], [sflag:$0x7], $0x10, s12, s14, $0xb8;
	[tilespmem:$0xBE80] =	vst v63  }
0xdc: {  	_ =	swait.ge [sflag:s26], $0x800  }
0xdd: {  	[sflag:s26] =	ssyncset.done $0x0  }
0xde: {  	[sflag:s26] =	ssyncadd.s32 $0xFFFFF800  }
0xdf: {  	_ =	swait.ge [sflag:s29], $0x800  }
0xe0: {  	[sflag:s29] =	ssyncset.done $0x0  }
0xe1: {  	[sflag:s29] =	ssyncadd.s32 $0xFFFFF800  }
0xe2: {  	[spmem:s1] =	stream.indirect.scatter.add.f32 [tilespmem:s23], [sflag:$0x8], $0x10, s21, s14, $0xb8;
	[tilespmem:$0xBE80] =	vst v63  }
0xe3: {  	_ =	swait.ge [sflag:s31], $0x800  }
0xe4: {  	[sflag:s31] =	ssyncset.done $0x0  }
0xe5: {  	[sflag:s31] =	ssyncadd.s32 $0xFFFFF800  }
0xe6: {  	_ =	swait.ge [sflag:s13], $0x800  }
0xe7: {  	[sflag:s13] =	ssyncset.done $0x0  }
0xe8: {  	[sflag:s13] =	ssyncadd.s32 $0xFFFFF800  }
0xe9: {  	_ =	swait.ge [sflag:s18], $0x800  }
0xea: {  	[sflag:s18] =	ssyncset.done $0x0  }
0xeb: {  	s28 =	simm.s32 @!p1 $0x1C09;
	s22 =	sadd.s32 $0x1, s22;
	[sflag:s18] =	ssyncadd.s32 $0xFFFFF800  }
0xec: {  	p2 =	sne.s32 s22, s9;
	s25 =	sshrl.u32 @!p1 s1, $0x3;
	[bflag:$0x0] =	sbarrier.arrive $0xFFFF  }
0xed: {  	[hbm:s8], [sflag:s28] =	dma.local @!p1 [spmem:s25], $0x4E80  }
.Ltmp4:
0xee: {  	_ = 	snop;
	(pc) =	sbr.rel @p2 .LBB2_1-.Ltmp4, $4  }
0xef: {  	s25 =	simm.s32 @!p1 $0x9  }
0xf0: {  	_ =	swait.ge @!p1 [sflag:s25], $0x4E80  }
0xf1: {  	[sflag:s25] =	ssyncset.done @!p1 $0x0  }
0xf2: {  	[sflag:s25] =	ssyncadd.s32 @!p1 $0xFFFFB180  }
0xf3: {  	_ =	sfence.sel $0x180000  }
0xf4: {  	[bflag:$0x0] =	sbarrier.arrive $0xFFFF  }
0xf5: {  	_ =	strace $0x9000004A  }
0xf6: {  	[bflag:$0x2] =	sbarrier.arrive $0xFFFF  }
0xf7: {  	s0 =	rddreg [dreg:$0x4]  }
0xf8: {  	s0 =	sadd.s32 @!p1 $0x100000, s0  }
0xf9: {  	[sflag:s0] =	ssyncadd.tile.s32 @!p1 $0x1;
	_ =	shalt  }
.Lfunc_end2:
_tile_overlayer_lowered:
.L_overlay_start_2:
0xfa: {  	(tag) =	ssettag $0x2  }
0xfb: {  	s0 =	rddreg [dreg:$0x0];
	s2 =	stileid.u32  }
0xfc: {  	s1 =	rddreg [dreg:$0x1];
	p0 =	sne.s32 s2, $0x0  }
0xfd: {  	s3 =	rddreg [dreg:$0x2];
	[bflag:$0x3] =	sbarrier.arrive $0xFFFF;
	s2 =	simm.s32 @!p0 $0x1C09  }
0xfe: {  	[timem:s3], [sflag:s2] =	dma.local @!p0 [hbm:s0], s1  }
0xff: {  	s0 =	simm.s32 @!p0 $0x9  }
0x100: {  	_ =	swait.ge @!p0 [sflag:s0], s1  }
0x101: {  	s1 =	ssub.s32 @!p0 $0x0, s1;
	[sflag:s0] =	ssyncset.done @!p0 $0x0  }
0x102: {  	[sflag:s0] =	ssyncadd.s32 @!p0 s1  }
0x103: {  	[bflag:$0x3] =	sbarrier.arrive $0xFFFF  }
0x104: {  	_ =	shalt  }

// kernel: kernel.7.cloned.1.call-start
scs
__scs_entry_jumppad:
0x0: {  	(pc) =	sbr.rel $0x88, $3  }
0x1: {  	(tag) =	ssettag $0x0;
	lr =	simm.s32 $0x1  }
0x2: {  	[smem:$0x3F9D] =	sst lr;
	_ =	strace $0xD0000000  }
0x3: {  	_ = 	snop  }
0x4: {  	_ = 	snop  }
0x5: {  	_ = 	snop  }
0x6: {  	_ = 	snop  }
0x7: {  	_ = 	snop  }
__scs_overlays_trampoline_lowered:
0x8: {  	[smem:$0x3FAC] =	sst s0  }
0x9: {  	[smem:$0x3FAD] =	sst s1  }
0xa: {  	[smem:$0x3FAE] =	sst s2  }
0xb: {  	[smem:$0x3FAF] =	sst s3  }
0xc: {  	[smem:$0x3FB0] =	sst s4  }
0xd: {  	[smem:$0x3FB1] =	sst s5  }
0xe: {  	[smem:$0x3FB2] =	sst s6  }
0xf: {  	[smem:$0x3FB3] =	sst s7  }
0x10: {  	[smem:$0x3FB4] =	sst s8  }
0x11: {  	[smem:$0x3FB5] =	sst s9;
	s0 =	simm.s32 @!p0 $0x0  }
0x12: {  	s1 =	sld [smem:$0x3F9B];
	s0 =	simm.s32 @p0 $0x1  }
0x13: {  	[smem:$0x3FB6] =	sst s0;
	s0 =	simm.s32 @!p1 $0x0  }
0x14: {  	s2 =	sld [smem:$0x3F9A];
	s0 =	simm.s32 @p1 $0x1  }
0x15: {  	[smem:$0x3FB7] =	sst s0;
	s0 =	simm.s32 @!p2 $0x0  }
0x16: {  	s3 =	sld [smem:$0x3FDB];
	s0 =	simm.s32 @p2 $0x1  }
0x17: {  	s4 =	simm.s32 $0x1BF5;
	[smem:$0x3FB9] =	sst s0  }
0x18: {  	s0 =	sld [smem:$0x3F9C];
	_ =	swait.ge [sflag:s4], $0x0  }
0x19: {  	s7 =	sld [smem:$0x3F9D]  }
0x1a: {  	s8 =	sadd.s32 $0xFFFFE003, lr  }
0x1b: {  	s9 =	sadd.s32 $0xFFFFFEF7, lr;
	s5 =	simm.s32 $0xFFFFFFFF;
	p2 =	slt.u32 s8, $0xFFFFF086  }
0x1c: {  	p1 =	slt.u32 s9, $0xF7A;
	s5 =	simm.s32 @!p2 $0x0  }
0x1d: {  	s5 =	simm.s32 @p1 $0x1;
	p0 =	seq.s32 s7, s2  }
0x1e: {  	s7 =	smul.u32 @!p0 $0xF7A, s2;
	p2 =	seq.s32 @!p0 s5, $0x0  }
0x1f: {  	s9 =	smul.u32 $0xF7A, s1;
	s8 =	simm.s32 @!p0 $0x1BF5;
	p2 =	por !p2, p0  }
0x20: {  	[sflag:s8] =	ssyncset.s32 @!p0 $0xFFFFF086;
	s6 =	sadd.s32 @!p0 s3, s7;
	s7 =	simm.s32 @!p0 $0x108  }
0x21: {  	s3 =	sadd.s32 s3, s9;
	s6 =	sadd.s32 @!p0 $0x88, s6;
	s7 =	simm.s32 @p2 $0x1082  }
0x22: {  	[simem:s7], [sflag:s8] =	dma.local @!p0 [hbm:s6], $0xF7A  }
0x23: {  	s9 =	sor.u32 $0xD0000000, s2;
	s6 =	simm.s32 $0x108;
	_ =	swait.ge @!p0 [sflag:s8], $0x0  }
0x24: {  	s3 =	sadd.s32 $0x88, s3;
	s6 =	simm.s32 @!p1 $0x1082;
	[sflag:s4] =	ssyncset.s32 $0xFFFFF086  }
0x25: {  	[simem:s6], [sflag:s4] =	dma.local [hbm:s3], $0xF7A  }
0x26: {  	[smem:$0x3F9D] =	sst s1;
	(tag) =	ssettag s2;
	_ =	strace s9  }
0x27: {  	s1 =	sld [smem:$0x3FAD]  }
0x28: {  	s2 =	sld [smem:$0x3FAE]  }
0x29: {  	s4 =	sld [smem:$0x3FB0]  }
0x2a: {  	p0 =	seq.s32 s5, $0x0;
	s5 =	sld [smem:$0x3FB1]  }
0x2b: {  	s6 =	sld [smem:$0x3FB2]  }
0x2c: {  	s7 =	sld [smem:$0x3FB3]  }
0x2d: {  	s3 =	simm.s32 $0x108;
	s8 =	sld [smem:$0x3FB4]  }
0x2e: {  	s3 =	simm.s32 @!p0 $0x1082;
	s9 =	sld [smem:$0x3FB5]  }
0x2f: {  	lr =	sadd.s32 s0, s3;
	s0 =	sld [smem:$0x3FAC]  }
0x30: {  	s3 =	sld [smem:$0x3FAF]  }
0x31: {  	[smem:$0x3FB8] =	sst s10  }
0x32: {  	s10 =	sld [smem:$0x3FB6];
	_ =	sdelay $0x3  }
0x33: {  	p0 =	seq.s32 s10, $0x1;
	s10 =	sld [smem:$0x3FB8];
	_ =	sdelay $0x3  }
0x34: {  	[smem:$0x3FB8] =	sst s10  }
0x35: {  	s10 =	sld [smem:$0x3FB7];
	_ =	sdelay $0x3  }
0x36: {  	p1 =	seq.s32 s10, $0x1;
	s10 =	sld [smem:$0x3FB8];
	_ =	sdelay $0x3  }
0x37: {  	[smem:$0x3FB8] =	sst s10  }
0x38: {  	s10 =	sld [smem:$0x3FB9]  }
0x39: {  	_ = 	snop;
	(pc) =	sbr.ind lr, $3  }
0x3a: {  	_ = 	snop  }
0x3b: {  	_ = 	snop  }
0x3c: {  	p2 =	seq.s32 s10, $0x1;
	s10 =	sld [smem:$0x3FB8]  }
0x3d: {  	_ =	shalt  }
0x3e: {  	_ =	shalt  }
0x3f: {  	_ =	shalt  }
0x40: {  	_ =	shalt  }
0x41: {  	_ =	shalt  }
0x42: {  	_ =	shalt  }
0x43: {  	_ =	shalt  }
0x44: {  	_ =	shalt  }
0x45: {  	_ =	shalt  }
0x46: {  	_ =	shalt  }
0x47: {  	_ =	shalt  }
0x48: {  	_ =	shalt  }
0x49: {  	_ =	shalt  }
0x4a: {  	_ =	shalt  }
0x4b: {  	_ =	shalt  }
0x4c: {  	_ =	shalt  }
0x4d: {  	_ =	shalt  }
0x4e: {  	_ =	shalt  }
0x4f: {  	_ =	shalt  }
0x50: {  	_ =	shalt  }
0x51: {  	_ =	shalt  }
0x52: {  	_ =	shalt  }
0x53: {  	_ =	shalt  }
0x54: {  	_ =	shalt  }
0x55: {  	_ =	shalt  }
0x56: {  	_ =	shalt  }
0x57: {  	_ =	shalt  }
0x58: {  	_ =	shalt  }
0x59: {  	_ =	shalt  }
0x5a: {  	_ =	shalt  }
0x5b: {  	_ =	shalt  }
0x5c: {  	_ =	shalt  }
0x5d: {  	_ =	shalt  }
0x5e: {  	_ =	shalt  }
0x5f: {  	_ =	shalt  }
0x60: {  	_ =	shalt  }
0x61: {  	_ =	shalt  }
0x62: {  	_ =	shalt  }
0x63: {  	_ =	shalt  }
0x64: {  	_ =	shalt  }
0x65: {  	_ =	shalt  }
0x66: {  	_ =	shalt  }
0x67: {  	_ =	shalt  }
0x68: {  	_ =	shalt  }
0x69: {  	_ =	shalt  }
0x6a: {  	_ =	shalt  }
0x6b: {  	_ =	shalt  }
0x6c: {  	_ =	shalt  }
0x6d: {  	_ =	shalt  }
0x6e: {  	_ =	shalt  }
0x6f: {  	_ =	shalt  }
0x70: {  	_ =	shalt  }
0x71: {  	_ =	shalt  }
0x72: {  	_ =	shalt  }
0x73: {  	_ =	shalt  }
0x74: {  	_ =	shalt  }
0x75: {  	_ =	shalt  }
0x76: {  	_ =	shalt  }
0x77: {  	_ =	shalt  }
0x78: {  	_ =	shalt  }
0x79: {  	_ =	shalt  }
0x7a: {  	_ =	shalt  }
0x7b: {  	_ =	shalt  }
0x7c: {  	_ =	shalt  }
0x7d: {  	_ =	shalt  }
0x7e: {  	_ =	shalt  }
0x7f: {  	_ =	shalt  }
0x80: {  	_ =	shalt  }
0x81: {  	_ =	shalt  }
0x82: {  	_ =	shalt  }
0x83: {  	_ =	shalt  }
0x84: {  	_ =	shalt  }
0x85: {  	_ =	shalt  }
0x86: {  	_ =	shalt  }
0x87: {  	_ =	shalt  }
.Lfunc_end0:
.L_simem_size_0:
called_computation_lowered:
.L_overlay_start_0:
0x88: {  	s2 =	sld [smem:$0x3FD9]  }
0x89: {  	s3 =	sld [smem:$0x3FFE];
	_ =	sdelay $0x1  }
0x8a: {  	s1 =	srdreg.scid  }
0x8b: {  	s0 =	sand.u32 $0x1, s1  }
0x8c: {  	s17 =	sshll.u32 s0, $0xA;
	s2 =	sadd.s32 s3, s2  }
0x8d: {  	s2 =	sadd.s32 s2, s17  }
0x8e: {  	[smem:$0x3FC4] =	sst s2  }
0x8f: {  	_ = 	snop  }
0x90: {  	s2 =	sld [smem:$0x3FD0];
	(tm) =	ssettm $0x1  }
0x91: {  	s18 =	sld [smem:$0x3FFB];
	_ =	sdelay $0x3  }
0x92: {  	_ =	strace s18  }
0x93: {  	s3 =	sld [smem:$0x3FFC];
	_ =	sdelay $0x3  }
0x94: {  	_ =	strace s3  }
0x95: {  	s3 =	sld [smem:$0x3FFD];
	_ =	sdelay $0x3  }
0x96: {  	_ =	strace s3  }
0x97: {  	_ =	strace $0x8FFFFFFF  }
0x98: {  	s19 =	sld [smem:$0x3FDB];
	_ =	sdelay $0x1  }
0x99: {  	s4 =	simm.s32 $_scs_section_size  }
0x9a: {  	s5 =	simm.s32 $_size__tile_overlayer_lowered;
	s6 =	simm.s32 $_tile_overlayer_lowered  }
0x9b: {  	s22 =	simm.s32 $0x1BFF;
	s21 =	sshll.u32 s6, $0x1;
	s3 =	sadd.s32 s4, s19  }
0x9c: {  	s7 =	simm.s32 $0x0;
	s20 =	sshll.u32 s5, $0x1;
	s5 =	sadd.s32 s21, s3  }
0x9d: {  	[timem:s7], [sflag:s22] =	dma.local [hbm:s5], s20  }
0x9e: {  	_ =	swait.ge [sflag:s22], s20  }
0x9f: {  	s4 =	ssub.s32 $0x0, s20;
	[sflag:s22] =	ssyncset.done $0x0  }
0xa0: {  	[sflag:s22] =	ssyncadd.s32 s4;
	_ =	sdelay $0x1  }
0xa1: {  	s23 =	simm.s32 $0x1B8B  }
0xa2: {  	_ =	swait.ge [sflag:s23], $0x1  }
0xa3: {  	[sflag:s23] =	ssyncset.done $0x0  }
0xa4: {  	s25 =	simm.s32 $0x1B8E;
	s24 =	sld [smem:$0x3FFE];
	[sflag:s23] =	ssyncadd.s32 $0xFFFFFFFF  }
0xa5: {  	s26 =	simm.s32 $execute0_lowered;
	[smem:$0x3FD2] =	sst s25  }
0xa6: {  	s5 =	sshll.u32 s26, $0x1;
	_ =	strace $0x80000046;
	[dreg:$0x1] =	wrdreg $0xFFFFFFFF  }
0xa7: {  	s28 =	simm.s32 $_size_execute0_lowered;
	s3 =	sadd.s32 s3, s5;
	[dreg:$0x0] =	wrdreg $0x0  }
0xa8: {  	s5 =	sshll.u32 s28, $0x1;
	[dreg:$0x2] =	wrdreg s3  }
0xa9: {  	[dreg:$0x3] =	wrdreg s5  }
0xaa: {  	[dreg:$0x4] =	wrdreg $0xC0  }
0xab: {  	_ =	task [dreg:s7], $0x5FFFF  }
0xac: {  	[dreg:$0x1] =	wrdreg $0xFFFFFFFF  }
0xad: {  	[dreg:$0x0] =	wrdreg $0x60  }
0xae: {  	[dreg:$0x2] =	wrdreg s24  }
0xaf: {  	[dreg:$0x3] =	wrdreg s2  }
0xb0: {  	[dreg:$0x4] =	wrdreg $0x30000  }
0xb1: {  	[dreg:$0x5] =	wrdreg $0x9  }
0xb2: {  	_ =	task.clear_ibuf [dreg:s7], $0x6FFFF;
	_ =	strace $0x90000046  }
0xb3: {  	s29 =	simm.s32 $0x9;
	_ =	strace $0x80000048  }
0xb4: {  	_ =	swait.ge [sflag:s29], $0x1  }
0xb5: {  	[sflag:s29] =	ssyncadd.s32 $0xFFFFFFFF  }
0xb6: {  	_ =	strace $0x90000048  }
0xb7: {  	_ =	sfence  }
0xb8: {  	s30 =	sld [smem:$0x0];
	_ =	sdelay $0x2  }
0xb9: {  	s31 =	sshll.u32 s1, $0xD;
	s1 =	sshrl.u32 s1, $0x2  }
0xba: {  	s3 =	sand.u32 $0x4000, s31;
	s1 =	sadd.s32 s1, s30  }
0xbb: {  	s0 =	sor.u32 s3, s0;
	s1 =	sshll.u32 s1, $0x11  }
0xbc: {  	s0 =	sor.u32 s1, s0  }
0xbd: {  	s0 =	sadd.s32 $0x8F2B, s0  }
0xbe: {  	[sflag:s0] =	ssyncadd.remote.s32 $0x1  }
0xbf: {  	_ =	sfence.sel $0xFFFF  }
0xc0: {  	[dreg:$0x0] =	wrdreg $0xFFFFFFFF;
	(pc) =	sbr.abs _section_cstart, $3  }
0xc1: {  	[dreg:$0x1] =	wrdreg $0xFFFFFFFF  }
0xc2: {  	_ =	task.clear_ibuf [dreg:s7], $0x2FFFF;
	_ =	strace $0x9FFFFFFF  }
0xc3: {  	(tm) =	ssettm $0x7FFFFFFF  }
tec
execute0_lowered:
.L_overlay_start_1:
0x0: {  	(tag) =	ssettag $0x1  }
0x1: {  	s5 =	rddreg [dreg:$0x0]  }
0x2: {  	s0 =	rddreg [dreg:$0x1]  }
0x3: {  	s1 =	srdreg.scid;
	s8 =	stileid.u32  }
0x4: {  	s2 =	rddreg [dreg:$0x2];
	s3 =	simm.s32 $0x0;
	s11 =	simm.s32 $0x80  }
0x5: {  	s12 =	simm.s32 $0x1;
	s4 =	sand.u32 $0x1, s1;
	s6 =	sshll.u32 s8, $0x1  }
0x6: {  	s13 =	simm.s32 $0x0;
	s1 =	rddreg [dreg:$0x3];
	s6 =	sor.u32 s4, s6  }
0x7: {  	[smem:$0x7FF] =	sst s3;
	p0 =	sne.s32 s8, $0x0;
	s6 =	smul.u32 $0x2800, s6  }
0x8: {  	s8 =	simm.s32 $0x2;
	_ =	strace $0x80000047;
	s7 =	smul.u32 $0x4E80, s4  }
0x9: {  	s9 =	ssub.s32 $0x2, s4;
	s4 =	sadd.s32 $0x16200, s5;
	s6 =	sshrl.u32 s6, $0x3  }
0xa: {  	s10 =	sshrl.u32 s9, $0x1;
	s7 =	sadd.s32 s7, s5;
	s6 =	sadd.s32 s5, s6  }
0xb: {  	s9 =	ssub.s32 s9, s10;
	s10 =	sshrl.u32 @!p0 s2, $0x3;
	s5 =	sadd.s32 $0xC200, s6  }
0xc: {  	s6 =	sadd.s32 $0x16400, s7;
	s7 =	smax.u32 s9, $0x1;
	s9 =	simm.s32 $0x2800  }
.LBB2_1:
0xd: {  	[tilespmem:s3], [sflag:$0x2] =	stream.linear.gather [hbm4b:s5+s3], $0x2800, $0x38;
	[tilespmem:$0x5740] =	vst v63  }
0xe: {  	_ =	swait.ge [sflag:s8], $0x2800  }
0xf: {  	[sflag:s8] =	ssyncset.done $0x0  }
0x10: {  	[sflag:s8] =	ssyncadd.s32 $0xFFFFD800  }
0x11: {  	[tilespmem:s9], [sflag:$0x2] =	stream.linear.gather [hbm4b:s4+s3], $0x800, $0x38;
	[tilespmem:$0x5740] =	vst v63  }
0x12: {  	_ =	swait.ge [sflag:s8], $0x800  }
0x13: {  	[sflag:s8] =	ssyncset.done $0x0  }
0x14: {  	s14 =	simm.s32 @!p0 $0x1C02;
	[sflag:s8] =	ssyncadd.s32 $0xFFFFF800  }
0x15: {  	[spmem:s10], [sflag:s14] =	dma.local @!p0 [hbm:s0], $0x4E80  }
0x16: {  	s14 =	simm.s32 @!p0 $0x2  }
0x17: {  	_ =	swait.ge @!p0 [sflag:s14], $0x4E80  }
0x18: {  	[sflag:s14] =	ssyncset.done @!p0 $0x0  }
0x19: {  	[sflag:s14] =	ssyncadd.s32 @!p0 $0xFFFFB180  }
0x1a: {  	s14 =	simm.s32 $0x0;
	[bflag:$0x0] =	sbarrier.arrive $0xFFFF  }
.LBB2_2:
0x1b: {  	p1 =	sne.s32 s14, $0x9E00  }
.Ltmp0:
0x1c: {  	_ = 	snop;
	(pc) =	sbr.rel @p1 .LBB2_2-.Ltmp0, $3  }
0x1d: {  	_ =	sdelay $0x1  }
0x1e: {  	s15 =	sshra.s32 s14, $0x2;
	s14 =	sadd.s32 $0x200, s14  }
0x1f: {  	[spmem:s2] =	stream.indirect.scatter.add.f32 [tilespmem:s9], [sflag:$0x1], $0x10, s15, s11, $0xb8;
	[tilespmem:$0x5740] =	vst v63  }
0x20: {  	_ =	swait.ge [sflag:s12], $0x800  }
0x21: {  	s14 =	simm.s32 $0x4F;
	[sflag:s12] =	ssyncset.done $0x0  }
.LBB2_4:
0x22: {  	p1 =	sne.s32 s14, $0x1;
	s14 =	sadd.s32 $0xFFFFFFFF, s14;
	[sflag:s12] =	ssyncadd.s32 $0xFFFFF800  }
.Ltmp1:
0x23: {  	(pc) =	sbr.rel @p1 .LBB2_4-.Ltmp1, $3  }
0x24: {  	_ =	sdelay $0x1  }
0x25: {  	_ =	swait.ge [sflag:s12], $0x800  }
0x26: {  	[sflag:s12] =	ssyncset.done $0x0  }
0x27: {  	[sflag:s12] =	ssyncadd.s32 $0xFFFFF800;
	s13 =	sadd.s32 $0x1, s13  }
0x28: {  	s14 =	simm.s32 @!p0 $0x1C02;
	[bflag:$0x0] =	sbarrier.arrive $0xFFFF;
	p1 =	sne.s32 s13, s7  }
0x29: {  	[hbm:s6], [sflag:s14] =	dma.local @!p0 [spmem:s10], $0x4E80  }
.Ltmp2:
0x2a: {  	_ = 	snop;
	(pc) =	sbr.rel @p1 .LBB2_1-.Ltmp2, $4  }
0x2b: {  	s14 =	simm.s32 @!p0 $0x2  }
0x2c: {  	_ =	swait.ge @!p0 [sflag:s14], $0x4E80  }
0x2d: {  	[sflag:s14] =	ssyncset.done @!p0 $0x0  }
0x2e: {  	[sflag:s14] =	ssyncadd.s32 @!p0 $0xFFFFB180  }
0x2f: {  	_ =	sfence.sel $0x180000  }
0x30: {  	[bflag:$0x0] =	sbarrier.arrive $0xFFFF  }
0x31: {  	_ =	strace $0x90000047  }
0x32: {  	s0 =	sadd.s32 @!p0 $0x100000, s1;
	[bflag:$0x2] =	sbarrier.arrive $0xFFFF  }
0x33: {  	[sflag:s0] =	ssyncadd.tile.s32 @!p0 $0x1;
	_ =	shalt  }
.Lfunc_end2:
_tile_overlayer_lowered:
.L_overlay_start_2:
0x34: {  	(tag) =	ssettag $0x2  }
0x35: {  	s0 =	rddreg [dreg:$0x0];
	s2 =	stileid.u32  }
0x36: {  	s1 =	rddreg [dreg:$0x1];
	p0 =	sne.s32 s2, $0x0  }
0x37: {  	s3 =	rddreg [dreg:$0x2];
	[bflag:$0x3] =	sbarrier.arrive $0xFFFF;
	s2 =	simm.s32 @!p0 $0x1C02  }
0x38: {  	[timem:s3], [sflag:s2] =	dma.local @!p0 [hbm:s0], s1  }
0x39: {  	s0 =	simm.s32 @!p0 $0x2  }
0x3a: {  	_ =	swait.ge @!p0 [sflag:s0], s1  }
0x3b: {  	s1 =	ssub.s32 @!p0 $0x0, s1;
	[sflag:s0] =	ssyncset.done @!p0 $0x0  }
0x3c: {  	[sflag:s0] =	ssyncadd.s32 @!p0 s1  }
0x3d: {  	[bflag:$0x3] =	sbarrier.arrive $0xFFFF  }
0x3e: {  	_ =	shalt  }

</sc_bundles>
